<compile_context>
chip_gen: v7x
topology: tpu7x:2x2x1
jax: 0.10.2.dev20260603
libtpu: 0.0.44.dev20260713+nightly
codegen_flags: <defaults>
</compile_context>

<pallas_src>
import functools

import numpy as np
import jax
import jax.numpy as jnp
from jax import lax
from jax.experimental import pallas as pl
from jax.experimental.pallas import tpu as pltpu
from jax.experimental.pallas import tpu_sc as plsc

_VOCAB = 100000
_N_TABLES = 26
_EMBED = 32
_B = 4096
_N_FEAT = 1 + _N_TABLES
_DI_DIM = _N_FEAT * (_N_FEAT + 1) // 2


_NC, _NS = 2, 16
_NW = _NC * _NS
_TOTAL = _B * _N_TABLES
_BPW = _TOTAL // _NW
_CHUNK = 128
_NCHUNK = _BPW // _CHUNK


_RM_ROWS = (_N_TABLES * _VOCAB) // 4
_NOB = _RM_ROWS // 64
_OB_TAIL = _RM_ROWS - _NOB * 64


def _sc_pack(table):
    mesh = plsc.VectorSubcoreMesh(core_axis_name="c", subcore_axis_name="s")

    @functools.partial(
        pl.kernel,
        mesh=mesh,
        out_type=jax.ShapeDtypeStruct((_RM_ROWS, 128), jnp.float32),
        scratch_types=[
            pltpu.VMEM((256, 32), jnp.float32),
            pltpu.VMEM((256, 32), jnp.float32),
            pltpu.VMEM((64, 128), jnp.float32),
            pltpu.VMEM((64, 128), jnp.float32),
            pltpu.SemaphoreType.DMA,
            pltpu.SemaphoreType.DMA,
        ],
        compiler_params=pltpu.CompilerParams(needs_layout_passes=False),
    )
    def k(tbl_hbm, out_hbm, s0, s1, o0, o1, isem, osem):
        wid = lax.axis_index("s") * _NC + lax.axis_index("c")

        def ob(kk):
            return wid + _NW * kk

        def fire_in(kk, sbuf):
            pltpu.async_copy(
                tbl_hbm.at[pl.ds(ob(kk) * 256, 256)], sbuf, isem)

        def drain(sem, buf):
            pltpu.make_async_copy(
                tbl_hbm.at[pl.ds(0, 256)] if buf.shape == (256, 32)
                else out_hbm.at[pl.ds(0, 64)], buf, sem).wait()

        def pack(sbuf, obuf):
            def pbody(p, carry):
                for g in range(8):
                    obuf[p, g * 16:(g + 1) * 16] = (
                        sbuf[4 * p + g // 2, (g % 2) * 16:(g % 2) * 16 + 16])
                return carry

            lax.fori_loop(0, 64, pbody, 0)

        def step(kk, sbuf, obuf, first):
            nxt = s1 if sbuf is s0 else s0

            @pl.when(ob(kk + 1) < _NOB)
            def _():
                fire_in(kk + 1, nxt)

            @pl.when(ob(kk) < _NOB)
            def _():
                drain(isem, sbuf)
                pack(sbuf, obuf)
                if not first:
                    drain(osem, obuf)
                pltpu.async_copy(obuf, out_hbm.at[pl.ds(ob(kk) * 64, 64)], osem)

        fire_in(0, s0)
        step(0, s0, o0, first=True)
        step(1, s1, o1, first=True)

        def body(k2, carry):
            step(2 * k2, s0, o0, first=False)
            step(2 * k2 + 1, s1, o1, first=False)
            return carry

        lax.fori_loop(1, 160, body, 0)
        drain(osem, o0)
        drain(osem, o1)

        @pl.when(wid == _NOB % _NW)
        def _():
            pltpu.sync_copy(
                tbl_hbm.at[pl.ds(_NOB * 256, _OB_TAIL * 4)],
                s0.at[pl.ds(0, _OB_TAIL * 4)])

            def pbody(p, carry):
                for g in range(8):
                    o0[p, g * 16:(g + 1) * 16] = (
                        s0[4 * p + g // 2, (g % 2) * 16:(g % 2) * 16 + 16])
                return carry

            lax.fori_loop(0, _OB_TAIL, pbody, 0)
            pltpu.sync_copy(
                o0.at[pl.ds(0, _OB_TAIL)],
                out_hbm.at[pl.ds(_NOB * 64, _OB_TAIL)])

    return k(table)


def _sc_gather(table_rm, idx3d):
    mesh = plsc.VectorSubcoreMesh(core_axis_name="c", subcore_axis_name="s")

    @functools.partial(
        pl.kernel,
        mesh=mesh,
        out_type=jax.ShapeDtypeStruct((_TOTAL, 128), jnp.float32),
        scratch_types=[
            pltpu.VMEM((_NCHUNK, _CHUNK), jnp.int32),
            pltpu.VMEM((_CHUNK, 128), jnp.float32),
            pltpu.VMEM((_CHUNK, 128), jnp.float32),
            pltpu.SemaphoreType.DMA,
        ],
        compiler_params=pltpu.CompilerParams(needs_layout_passes=False),
    )
    def k(table_hbm, idx_hbm, out_hbm, idx_v, g0, g1, sem):
        wid = lax.axis_index("s") * _NC + lax.axis_index("c")
        base = wid * _BPW
        pltpu.sync_copy(idx_hbm.at[wid], idx_v)

        def fire(c, gbuf):
            pltpu.async_copy(table_hbm.at[idx_v.at[c]], gbuf, sem)

        def drain(gbuf):
            pltpu.make_async_copy(
                table_hbm.at[pl.ds(0, _CHUNK)], gbuf, sem).wait()

        def flush(c, gbuf):
            pltpu.sync_copy(
                gbuf, out_hbm.at[pl.ds(base + c * _CHUNK, _CHUNK)])

        fire(0, g0)

        def body(c2, carry):
            c = 2 * c2

            @pl.when(c + 1 < _NCHUNK)
            def _():
                fire(c + 1, g1)

            drain(g0)
            flush(c, g0)

            @pl.when(c + 2 < _NCHUNK)
            def _():
                fire(c + 2, g0)

            @pl.when(c + 1 < _NCHUNK)
            def _():
                drain(g1)
                flush(c + 1, g1)
            return carry

        lax.fori_loop(0, (_NCHUNK + 1) // 2, body, 0)

    return k(table_rm, idx3d)



_BLK = 256
_GRID = _B // _BLK


def _dense_body(dense_ref, embed_ref, li_ref,
                bw0, bb0, bw1, bb1, bw2, bb2,
                tw0, tb0, tw1, tb1, tw2, tb2, tw3, tb3, tw4, tb4,
                out_ref, acc_ref):
    h = dense_ref[:]
    h = jnp.maximum(h @ bw0[:] + bb0[:], 0.0)
    h = jnp.maximum(h @ bw1[:] + bb1[:], 0.0)
    bot = jnp.maximum(h @ bw2[:] + bb2[:], 0.0)

    li = li_ref[:][:, :, None]
    emb = jnp.where(li == 0, embed_ref[:, :, 0:32], 0.0)
    emb = emb + jnp.where(li == 1, embed_ref[:, :, 32:64], 0.0)
    emb = emb + jnp.where(li == 2, embed_ref[:, :, 64:96], 0.0)
    emb = emb + jnp.where(li == 3, embed_ref[:, :, 96:128], 0.0)
    feat = jnp.concatenate([bot.reshape(_BLK, 1, _EMBED), emb], axis=1)
    xact = jax.lax.dot_general(
        feat, feat, (((2,), (2,)), ((0,), (0,))),
        preferred_element_type=jnp.float32)
    acc_ref[:, 0:_EMBED] = bot
    off = _EMBED
    for i in range(_N_FEAT):
        w = _N_FEAT - i
        acc_ref[:, off:off + w] = xact[:, i, i:]
        off += w

    x = acc_ref[:]
    x = jnp.maximum(x @ tw0[:] + tb0[:], 0.0)
    x = jnp.maximum(x @ tw1[:] + tb1[:], 0.0)
    x = jnp.maximum(x @ tw2[:] + tb2[:], 0.0)
    x = jnp.maximum(x @ tw3[:] + tb3[:], 0.0)
    x = x @ tw4[:] + tb4[:]
    out_ref[:] = jax.nn.sigmoid(x)


def _dense_call(dense, embed, li, bw0, bb0, bw1, bb1, bw2, bb2,
                tw0, tb0, tw1, tb1, tw2, tb2, tw3, tb3, tw4, tb4):
    def full(a):
        return pl.BlockSpec(a.shape, lambda i: (0,) * a.ndim)

    ws = (bw0, bb0, bw1, bb1, bw2, bb2,
          tw0, tb0, tw1, tb1, tw2, tb2, tw3, tb3, tw4, tb4)
    return pl.pallas_call(
        _dense_body,
        grid=(_GRID,),
        in_specs=[
            pl.BlockSpec((_BLK, dense.shape[1]), lambda i: (i, 0)),
            pl.BlockSpec((_BLK, _N_TABLES, 128), lambda i: (i, 0, 0)),
            pl.BlockSpec((_BLK, _N_TABLES), lambda i: (i, 0)),
        ] + [full(w) for w in ws],
        out_specs=pl.BlockSpec((_BLK, 1), lambda i: (i, 0)),
        out_shape=jax.ShapeDtypeStruct((_B, 1), jnp.float32),
        scratch_shapes=[pltpu.VMEM((_BLK, _EMBED + _DI_DIM), jnp.float32)],
        compiler_params=pltpu.CompilerParams(
            dimension_semantics=("arbitrary",),
        ),
    )(dense, embed, li, *ws)


def kernel(dense_features, cat_features, embedding_table,
           bw0, bb0, bw1, bb1, bw2, bb2,
           tw0, tb0, tw1, tb1, tw2, tb2, tw3, tb3, tw4, tb4):
    offsets = jnp.asarray(np.arange(_N_TABLES, dtype=np.int32) * _VOCAB)
    idx = cat_features + offsets[None, :]
    idx4 = (idx >> 2).reshape(_NW, _NCHUNK, _CHUNK)
    li = idx & 3
    table_rm = _sc_pack(embedding_table)
    rows = _sc_gather(table_rm, idx4)
    embed = rows.reshape(_B, _N_TABLES, 128)
    b2 = lambda v: v.reshape(1, -1)
    return _dense_call(dense_features, embed, li,
                       bw0, b2(bb0), bw1, b2(bb1), bw2, b2(bb2),
                       tw0, b2(tb0), tw1, b2(tb1), tw2, b2(tb2),
                       tw3, b2(tb3), tw4, b2(tb4))

# --- scband reference (transcript-rebuilt; emitter-appended) ---
"""Pipeline reference for scband-dlrm-6176162971819 (READ-ONLY COPY).

The authoritative reference and input builder live on the scoring server;
editing this copy changes nothing except your own understanding.
"""

import jax, jax.numpy as jnp
import numpy as np

VOCAB = 100000
N_TABLES = 26
EMBED = 32
B = 4096
DENSE_IN = 13
BOT = [512, 256, 32]
TOP = [1024, 1024, 512, 256, 1]


def setup_inputs(seed: int = 0) -> dict:
    key = jax.random.key(seed)
    ks = jax.random.split(key, 40)
    inp = {}
    inp["dense_features"] = jax.random.normal(ks[0], (B, DENSE_IN), dtype=jnp.float32)
    inp["cat_features"] = jax.random.randint(ks[1], (B, N_TABLES), 0, VOCAB, dtype=jnp.int32)
    inp["embedding_table"] = jax.random.uniform(ks[2], (N_TABLES * VOCAB, EMBED), dtype=jnp.float32, minval=-0.01, maxval=0.01)
    dims = [DENSE_IN] + BOT
    for i in range(len(BOT)):
        inp[f"bw{i}"] = jax.random.normal(ks[3 + 2 * i], (dims[i], dims[i + 1]), dtype=jnp.float32) * (1.0 / np.sqrt(dims[i]))
        inp[f"bb{i}"] = jnp.zeros((dims[i + 1],), jnp.float32)
    n_feat = 1 + N_TABLES
    di_dim = n_feat * (n_feat + 1) // 2
    tdims = [EMBED + di_dim] + TOP
    for i in range(len(TOP)):
        inp[f"tw{i}"] = jax.random.normal(ks[12 + 2 * i], (tdims[i], tdims[i + 1]), dtype=jnp.float32) * np.sqrt(2.0 / (tdims[i] + tdims[i + 1]))
        inp[f"tb{i}"] = jnp.zeros((tdims[i + 1],), jnp.float32)
    return inp


def dot_interact(concat_features):
    # concat_features: [B, n_features, embed_dim]; keep_diags=True
    n = concat_features.shape[1]
    xactions = jnp.matmul(concat_features, jnp.transpose(concat_features, (0, 2, 1)))
    mask = np.triu(np.ones((n, n), dtype=bool))  # concrete mask -> gather of upper-tri entries
    acts = xactions[:, mask]  # [B, n*(n+1)//2], row-major order matches flax reference
    return acts


def reference(dense_features, cat_features, embedding_table,
              bw0, bb0, bw1, bb1, bw2, bb2,
              tw0, tb0, tw1, tb1, tw2, tb2, tw3, tb3, tw4, tb4):
    # bottom MLP
    h = dense_features
    for W, b in ((bw0, bb0), (bw1, bb1), (bw2, bb2)):
        h = jax.nn.relu(h @ W + b)
    bot = h  # [B, 32]
    bsz = bot.shape[0]
    feature_stack = bot.reshape(bsz, -1, EMBED)
    # embedding lookup into concatenated table with per-table offsets
    offsets = jnp.asarray(np.arange(N_TABLES, dtype=np.int32) * VOCAB)
    idx_lookup = (cat_features + offsets[None, :]).reshape(-1)
    embed_features = jnp.take(embedding_table, idx_lookup, axis=0)
    embed_features = embed_features.reshape(bsz, N_TABLES, EMBED)
    feature_stack = jnp.concatenate([feature_stack, embed_features], axis=1)  # [B, 27, 32]
    di = dot_interact(feature_stack)  # [B, 378]
    top = jnp.concatenate([bot, di], axis=-1)  # [B, 410]
    tws = ((tw0, tb0), (tw1, tb1), (tw2, tb2), (tw3, tb3), (tw4, tb4))
    for i, (W, b) in enumerate(tws):
        top = top @ W + b
        top = jax.nn.sigmoid(top) if i == len(tws) - 1 else jax.nn.relu(top)
    return top

if __name__ == "__main__":
    import jax
    _d = setup_inputs()
    print(jax.jit(kernel)(*tuple(_d.values())))

</pallas_src>

<mosaic_0001>
#map = affine_map<(d0, d1) -> (0, 0)>
#map1 = affine_map<(d0, d1) -> (0, 0, 0)>
module attributes {stable_mosaic.version = 14 : i64} {
  func.func @k(%arg0: i32, %arg1: i32, %arg2: memref<650000x128xf32, #tpu.memory_space<hbm>>, %arg3: memref<32x26x128xi32, #tpu.memory_space<hbm>>, %arg4: memref<106496x128xf32, #tpu.memory_space<hbm>>, %arg5: memref<26x128xi32, #tpu.memory_space<vmem>>, %arg6: memref<128x128xf32, #tpu.memory_space<vmem>>, %arg7: memref<128x128xf32, #tpu.memory_space<vmem>>, %arg8: memref<!tpu.dma_semaphore, #tpu.memory_space<semaphore_mem>>) attributes {dimension_semantics = [#tpu.dimension_semantics<core_parallel>, #tpu.dimension_semantics<subcore_parallel>], iteration_bounds = array<i64: 2, 16>, scalar_prefetch = 0 : i64, scratch_operands = 4 : i64, tpu.core_type = #tpu.core_type<sc_vector_subcore>, window_params = [{transform_indices = #map}, {transform_indices = #map1}, {transform_indices = #map}]} {
    %mul3A = arith.constant 2 : i32
    %mul3A_0 = arith.muli %arg1, %mul3A : i32
    %add3A = arith.addi %mul3A_0, %arg0 : i32
    %mul3A_1 = arith.constant 3328 : i32
    %mul3A_2 = arith.muli %add3A, %mul3A_1 : i32
    "tpu.region"() ({
      %run_scoped3A = tpu.sem_alloc : memref<!tpu.dma_semaphore, #tpu.memory_space<semaphore_mem>>
      %dma_start3A_14 = arith.constant 0 : i32
      %dma_start3A_15 = arith.constant 0 : i32
      %dma_start3A_16 = tpu.memref_slice %arg3[%add3A, %dma_start3A_14, %dma_start3A_15] : memref<32x26x128xi32, #tpu.memory_space<hbm>> -> memref<1x26x128xi32, #tpu.memory_space<hbm>>
      %dma_start3A_17 = tpu.memref_squeeze %dma_start3A_16 : memref<1x26x128xi32, #tpu.memory_space<hbm>> -> memref<26x128xi32, #tpu.memory_space<hbm>>
      %dma_start3A_18 = arith.constant 0 : i32
      %dma_start3A_19 = arith.constant 0 : i32
      %dma_start3A_20 = tpu.memref_slice %arg3[%add3A, %dma_start3A_18, %dma_start3A_19] : memref<32x26x128xi32, #tpu.memory_space<hbm>> -> memref<1x26x128xi32, #tpu.memory_space<hbm>>
      %dma_start3A_21 = tpu.memref_squeeze %dma_start3A_20 : memref<1x26x128xi32, #tpu.memory_space<hbm>> -> memref<26x128xi32, #tpu.memory_space<hbm>>
      tpu.enqueue_dma source(%dma_start3A_21 : memref<26x128xi32, #tpu.memory_space<hbm>>) target(%arg5 : memref<26x128xi32, #tpu.memory_space<vmem>>) target_semaphore(%run_scoped3A : memref<!tpu.dma_semaphore, #tpu.memory_space<semaphore_mem>>)
      %dma_wait3A = arith.constant 0 : i32
      %dma_wait3A_22 = arith.constant 0 : i32
      %dma_wait3A_23 = tpu.memref_slice %arg3[%add3A, %dma_wait3A, %dma_wait3A_22] : memref<32x26x128xi32, #tpu.memory_space<hbm>> -> memref<1x26x128xi32, #tpu.memory_space<hbm>>
      %dma_wait3A_24 = tpu.memref_squeeze %dma_wait3A_23 : memref<1x26x128xi32, #tpu.memory_space<hbm>> -> memref<26x128xi32, #tpu.memory_space<hbm>>
      %dma_wait3A_25 = arith.constant 0 : i32
      %dma_wait3A_26 = arith.constant 0 : i32
      %dma_wait3A_27 = tpu.memref_slice %arg3[%add3A, %dma_wait3A_25, %dma_wait3A_26] : memref<32x26x128xi32, #tpu.memory_space<hbm>> -> memref<1x26x128xi32, #tpu.memory_space<hbm>>
      %dma_wait3A_28 = tpu.memref_squeeze %dma_wait3A_27 : memref<1x26x128xi32, #tpu.memory_space<hbm>> -> memref<26x128xi32, #tpu.memory_space<hbm>>
      tpu.wait_dma2 semaphore(%run_scoped3A : memref<!tpu.dma_semaphore, #tpu.memory_space<semaphore_mem>>) src(%dma_wait3A_28 : memref<26x128xi32, #tpu.memory_space<hbm>>) dst(%arg5 : memref<26x128xi32, #tpu.memory_space<vmem>>)
      tpu.yield
    }) : () -> ()
    %dma_start3A = arith.constant 0 : i32
    %dma_start3A_3 = arith.constant 0 : i32
    %dma_start3A_4 = tpu.memref_slice %arg5[%dma_start3A, %dma_start3A_3] : memref<26x128xi32, #tpu.memory_space<vmem>> -> memref<1x128xi32, #tpu.memory_space<vmem>>
    %dma_start3A_5 = tpu.memref_squeeze %dma_start3A_4 : memref<1x128xi32, #tpu.memory_space<vmem>> -> memref<128xi32, #tpu.memory_space<vmem>>
    %dma_start3A_6 = arith.constant 0 : i32
    %dma_start3A_7 = arith.constant 0 : i32
    %dma_start3A_8 = tpu.memref_slice %arg2[%dma_start3A_6, %dma_start3A_7] : memref<650000x128xf32, #tpu.memory_space<hbm>> -> memref<650000x128xf32, #tpu.memory_space<hbm>>
    tpu.enqueue_indirect_dma source(%dma_start3A_8 : memref<650000x128xf32, #tpu.memory_space<hbm>>) target(%arg6 : memref<128x128xf32, #tpu.memory_space<vmem>>) offsets(%dma_start3A_5 : memref<128xi32, #tpu.memory_space<vmem>>) semaphore(%arg8 : memref<!tpu.dma_semaphore, #tpu.memory_space<semaphore_mem>>)
    %scan3A = arith.constant 0 : i32
    %scan3A_9 = arith.constant 0 : i32
    %scan3A_10 = arith.constant 13 : i32
    %scan3A_11 = arith.addi %scan3A_9, %scan3A_10 : i32
    %scan3A_12 = arith.constant 1 : i32
    scf.for %scan3A_14 = %scan3A_9 to %scan3A_11 step %scan3A_12  : i32 {
      %mul3A_15 = arith.constant 2 : i32
      %mul3A_16 = arith.muli %mul3A_15, %scan3A_14 : i32
      %add3A_17 = arith.constant 1 : i32
      %add3A_18 = arith.addi %mul3A_16, %add3A_17 : i32
      %lt3A = arith.constant 26 : i32
      %lt3A_19 = arith.cmpi slt, %add3A_18, %lt3A : i32
      %convert_element_type3A = arith.extui %lt3A_19 : i1 to i32
      %cond3A = arith.constant 0 : i32
      %cond3A_20 = arith.cmpi ne, %convert_element_type3A, %cond3A : i32
      scf.if %cond3A_20 {
        %add3A_43 = arith.constant 1 : i32
        %add3A_44 = arith.addi %mul3A_16, %add3A_43 : i32
        %dma_start3A_45 = arith.constant 0 : i32
        %dma_start3A_46 = tpu.memref_slice %arg5[%add3A_44, %dma_start3A_45] : memref<26x128xi32, #tpu.memory_space<vmem>> -> memref<1x128xi32, #tpu.memory_space<vmem>>
        %dma_start3A_47 = tpu.memref_squeeze %dma_start3A_46 : memref<1x128xi32, #tpu.memory_space<vmem>> -> memref<128xi32, #tpu.memory_space<vmem>>
        %dma_start3A_48 = arith.constant 0 : i32
        %dma_start3A_49 = arith.constant 0 : i32
        %dma_start3A_50 = tpu.memref_slice %arg2[%dma_start3A_48, %dma_start3A_49] : memref<650000x128xf32, #tpu.memory_space<hbm>> -> memref<650000x128xf32, #tpu.memory_space<hbm>>
        tpu.enqueue_indirect_dma source(%dma_start3A_50 : memref<650000x128xf32, #tpu.memory_space<hbm>>) target(%arg7 : memref<128x128xf32, #tpu.memory_space<vmem>>) offsets(%dma_start3A_47 : memref<128xi32, #tpu.memory_space<vmem>>) semaphore(%arg8 : memref<!tpu.dma_semaphore, #tpu.memory_space<semaphore_mem>>)
      } else {
      }
      %dma_wait3A = arith.constant 0 : i32
      %dma_wait3A_21 = arith.constant 0 : i32
      %dma_wait3A_22 = tpu.memref_slice %arg2[%dma_wait3A, %dma_wait3A_21] : memref<650000x128xf32, #tpu.memory_space<hbm>> -> memref<128x128xf32, #tpu.memory_space<hbm>>
      %dma_wait3A_23 = arith.constant 0 : i32
      %dma_wait3A_24 = arith.constant 0 : i32
      %dma_wait3A_25 = tpu.memref_slice %arg2[%dma_wait3A_23, %dma_wait3A_24] : memref<650000x128xf32, #tpu.memory_space<hbm>> -> memref<128x128xf32, #tpu.memory_space<hbm>>
      tpu.wait_dma2 semaphore(%arg8 : memref<!tpu.dma_semaphore, #tpu.memory_space<semaphore_mem>>) src(%dma_wait3A_25 : memref<128x128xf32, #tpu.memory_space<hbm>>) dst(%arg6 : memref<128x128xf32, #tpu.memory_space<vmem>>)
      %mul3A_26 = arith.constant 128 : i32
      %mul3A_27 = arith.muli %mul3A_16, %mul3A_26 : i32
      %add3A_28 = arith.addi %mul3A_2, %mul3A_27 : i32
      "tpu.region"() ({
        %run_scoped3A = tpu.sem_alloc : memref<!tpu.dma_semaphore, #tpu.memory_space<semaphore_mem>>
        %dma_start3A_43 = arith.constant 0 : i32
        %dma_start3A_44 = tpu.memref_slice %arg4[%add3A_28, %dma_start3A_43] : memref<106496x128xf32, #tpu.memory_space<hbm>> -> memref<128x128xf32, #tpu.memory_space<hbm>>
        %dma_start3A_45 = arith.constant 0 : i32
        %dma_start3A_46 = tpu.memref_slice %arg4[%add3A_28, %dma_start3A_45] : memref<106496x128xf32, #tpu.memory_space<hbm>> -> memref<128x128xf32, #tpu.memory_space<hbm>>
        tpu.enqueue_dma source(%arg6 : memref<128x128xf32, #tpu.memory_space<vmem>>) target(%dma_start3A_46 : memref<128x128xf32, #tpu.memory_space<hbm>>) target_semaphore(%run_scoped3A : memref<!tpu.dma_semaphore, #tpu.memory_space<semaphore_mem>>)
        %dma_wait3A_47 = arith.constant 0 : i32
        %dma_wait3A_48 = tpu.memref_slice %arg4[%add3A_28, %dma_wait3A_47] : memref<106496x128xf32, #tpu.memory_space<hbm>> -> memref<128x128xf32, #tpu.memory_space<hbm>>
        %dma_wait3A_49 = arith.constant 0 : i32
        %dma_wait3A_50 = tpu.memref_slice %arg4[%add3A_28, %dma_wait3A_49] : memref<106496x128xf32, #tpu.memory_space<hbm>> -> memref<128x128xf32, #tpu.memory_space<hbm>>
        tpu.wait_dma2 semaphore(%run_scoped3A : memref<!tpu.dma_semaphore, #tpu.memory_space<semaphore_mem>>) src(%arg6 : memref<128x128xf32, #tpu.memory_space<vmem>>) dst(%dma_wait3A_50 : memref<128x128xf32, #tpu.memory_space<hbm>>)
        tpu.yield
      }) : () -> ()
      %add3A_29 = arith.constant 2 : i32
      %add3A_30 = arith.addi %mul3A_16, %add3A_29 : i32
      %lt3A_31 = arith.constant 26 : i32
      %lt3A_32 = arith.cmpi slt, %add3A_30, %lt3A_31 : i32
      %convert_element_type3A_33 = arith.extui %lt3A_32 : i1 to i32
      %cond3A_34 = arith.constant 0 : i32
      %cond3A_35 = arith.cmpi ne, %convert_element_type3A_33, %cond3A_34 : i32
      scf.if %cond3A_35 {
        %add3A_43 = arith.constant 2 : i32
        %add3A_44 = arith.addi %mul3A_16, %add3A_43 : i32
        %dma_start3A_45 = arith.constant 0 : i32
        %dma_start3A_46 = tpu.memref_slice %arg5[%add3A_44, %dma_start3A_45] : memref<26x128xi32, #tpu.memory_space<vmem>> -> memref<1x128xi32, #tpu.memory_space<vmem>>
        %dma_start3A_47 = tpu.memref_squeeze %dma_start3A_46 : memref<1x128xi32, #tpu.memory_space<vmem>> -> memref<128xi32, #tpu.memory_space<vmem>>
        %dma_start3A_48 = arith.constant 0 : i32
        %dma_start3A_49 = arith.constant 0 : i32
        %dma_start3A_50 = tpu.memref_slice %arg2[%dma_start3A_48, %dma_start3A_49] : memref<650000x128xf32, #tpu.memory_space<hbm>> -> memref<650000x128xf32, #tpu.memory_space<hbm>>
        tpu.enqueue_indirect_dma source(%dma_start3A_50 : memref<650000x128xf32, #tpu.memory_space<hbm>>) target(%arg6 : memref<128x128xf32, #tpu.memory_space<vmem>>) offsets(%dma_start3A_47 : memref<128xi32, #tpu.memory_space<vmem>>) semaphore(%arg8 : memref<!tpu.dma_semaphore, #tpu.memory_space<semaphore_mem>>)
      } else {
      }
      %add3A_36 = arith.constant 1 : i32
      %add3A_37 = arith.addi %mul3A_16, %add3A_36 : i32
      %lt3A_38 = arith.constant 26 : i32
      %lt3A_39 = arith.cmpi slt, %add3A_37, %lt3A_38 : i32
      %convert_element_type3A_40 = arith.extui %lt3A_39 : i1 to i32
      %cond3A_41 = arith.constant 0 : i32
      %cond3A_42 = arith.cmpi ne, %convert_element_type3A_40, %cond3A_41 : i32
      scf.if %cond3A_42 {
        %dma_wait3A_43 = arith.constant 0 : i32
        %dma_wait3A_44 = arith.constant 0 : i32
        %dma_wait3A_45 = tpu.memref_slice %arg2[%dma_wait3A_43, %dma_wait3A_44] : memref<650000x128xf32, #tpu.memory_space<hbm>> -> memref<128x128xf32, #tpu.memory_space<hbm>>
        %dma_wait3A_46 = arith.constant 0 : i32
        %dma_wait3A_47 = arith.constant 0 : i32
        %dma_wait3A_48 = tpu.memref_slice %arg2[%dma_wait3A_46, %dma_wait3A_47] : memref<650000x128xf32, #tpu.memory_space<hbm>> -> memref<128x128xf32, #tpu.memory_space<hbm>>
        tpu.wait_dma2 semaphore(%arg8 : memref<!tpu.dma_semaphore, #tpu.memory_space<semaphore_mem>>) src(%dma_wait3A_48 : memref<128x128xf32, #tpu.memory_space<hbm>>) dst(%arg7 : memref<128x128xf32, #tpu.memory_space<vmem>>)
        %add3A_49 = arith.constant 1 : i32
        %add3A_50 = arith.addi %mul3A_16, %add3A_49 : i32
        %mul3A_51 = arith.constant 128 : i32
        %mul3A_52 = arith.muli %add3A_50, %mul3A_51 : i32
        %add3A_53 = arith.addi %mul3A_2, %mul3A_52 : i32
        "tpu.region"() ({
          %run_scoped3A = tpu.sem_alloc : memref<!tpu.dma_semaphore, #tpu.memory_space<semaphore_mem>>
          %dma_start3A_54 = arith.constant 0 : i32
          %dma_start3A_55 = tpu.memref_slice %arg4[%add3A_53, %dma_start3A_54] : memref<106496x128xf32, #tpu.memory_space<hbm>> -> memref<128x128xf32, #tpu.memory_space<hbm>>
          %dma_start3A_56 = arith.constant 0 : i32
          %dma_start3A_57 = tpu.memref_slice %arg4[%add3A_53, %dma_start3A_56] : memref<106496x128xf32, #tpu.memory_space<hbm>> -> memref<128x128xf32, #tpu.memory_space<hbm>>
          tpu.enqueue_dma source(%arg7 : memref<128x128xf32, #tpu.memory_space<vmem>>) target(%dma_start3A_57 : memref<128x128xf32, #tpu.memory_space<hbm>>) target_semaphore(%run_scoped3A : memref<!tpu.dma_semaphore, #tpu.memory_space<semaphore_mem>>)
          %dma_wait3A_58 = arith.constant 0 : i32
          %dma_wait3A_59 = tpu.memref_slice %arg4[%add3A_53, %dma_wait3A_58] : memref<106496x128xf32, #tpu.memory_space<hbm>> -> memref<128x128xf32, #tpu.memory_space<hbm>>
          %dma_wait3A_60 = arith.constant 0 : i32
          %dma_wait3A_61 = tpu.memref_slice %arg4[%add3A_53, %dma_wait3A_60] : memref<106496x128xf32, #tpu.memory_space<hbm>> -> memref<128x128xf32, #tpu.memory_space<hbm>>
          tpu.wait_dma2 semaphore(%run_scoped3A : memref<!tpu.dma_semaphore, #tpu.memory_space<semaphore_mem>>) src(%arg7 : memref<128x128xf32, #tpu.memory_space<vmem>>) dst(%dma_wait3A_61 : memref<128x128xf32, #tpu.memory_space<hbm>>)
          tpu.yield
        }) : () -> ()
      } else {
      }
    }
    %scan3A_13 = arith.constant 13 : i32
    return
  }
}

#map = affine_map<(d0, d1) -> (0, 0)>
module attributes {stable_mosaic.version = 14 : i64} {
  func.func @k(%arg0: i32, %arg1: i32, %arg2: memref<2600000x32xf32, #tpu.memory_space<hbm>>, %arg3: memref<650000x128xf32, #tpu.memory_space<hbm>>, %arg4: memref<256x32xf32, #tpu.memory_space<vmem>>, %arg5: memref<256x32xf32, #tpu.memory_space<vmem>>, %arg6: memref<64x128xf32, #tpu.memory_space<vmem>>, %arg7: memref<64x128xf32, #tpu.memory_space<vmem>>, %arg8: memref<!tpu.dma_semaphore, #tpu.memory_space<semaphore_mem>>, %arg9: memref<!tpu.dma_semaphore, #tpu.memory_space<semaphore_mem>>) attributes {dimension_semantics = [#tpu.dimension_semantics<core_parallel>, #tpu.dimension_semantics<subcore_parallel>], iteration_bounds = array<i64: 2, 16>, scalar_prefetch = 0 : i64, scratch_operands = 6 : i64, tpu.core_type = #tpu.core_type<sc_vector_subcore>, window_params = [{transform_indices = #map}, {transform_indices = #map}]} {
    %mul3A = arith.constant 2 : i32
    %mul3A_0 = arith.muli %arg1, %mul3A : i32
    %add3A = arith.addi %mul3A_0, %arg0 : i32
    %add3A_1 = arith.constant 0 : i32
    %add3A_2 = arith.addi %add3A, %add3A_1 : i32
    %mul3A_3 = arith.constant 256 : i32
    %mul3A_4 = arith.muli %add3A_2, %mul3A_3 : i32
    %dma_start3A = arith.constant 0 : i32
    %dma_start3A_5 = tpu.memref_slice %arg2[%mul3A_4, %dma_start3A] : memref<2600000x32xf32, #tpu.memory_space<hbm>> -> memref<256x32xf32, #tpu.memory_space<hbm>>
    %dma_start3A_6 = arith.constant 0 : i32
    %dma_start3A_7 = tpu.memref_slice %arg2[%mul3A_4, %dma_start3A_6] : memref<2600000x32xf32, #tpu.memory_space<hbm>> -> memref<256x32xf32, #tpu.memory_space<hbm>>
    tpu.enqueue_dma source(%dma_start3A_7 : memref<256x32xf32, #tpu.memory_space<hbm>>) target(%arg4 : memref<256x32xf32, #tpu.memory_space<vmem>>) target_semaphore(%arg8 : memref<!tpu.dma_semaphore, #tpu.memory_space<semaphore_mem>>)
    %add3A_8 = arith.constant 32 : i32
    %add3A_9 = arith.addi %add3A, %add3A_8 : i32
    %lt3A = arith.constant 10156 : i32
    %lt3A_10 = arith.cmpi slt, %add3A_9, %lt3A : i32
    %convert_element_type3A = arith.extui %lt3A_10 : i1 to i32
    %cond3A = arith.constant 0 : i32
    %cond3A_11 = arith.cmpi ne, %convert_element_type3A, %cond3A : i32
    scf.if %cond3A_11 {
      %add3A_53 = arith.constant 32 : i32
      %add3A_54 = arith.addi %add3A, %add3A_53 : i32
      %mul3A_55 = arith.constant 256 : i32
      %mul3A_56 = arith.muli %add3A_54, %mul3A_55 : i32
      %dma_start3A_57 = arith.constant 0 : i32
      %dma_start3A_58 = tpu.memref_slice %arg2[%mul3A_56, %dma_start3A_57] : memref<2600000x32xf32, #tpu.memory_space<hbm>> -> memref<256x32xf32, #tpu.memory_space<hbm>>
      %dma_start3A_59 = arith.constant 0 : i32
      %dma_start3A_60 = tpu.memref_slice %arg2[%mul3A_56, %dma_start3A_59] : memref<2600000x32xf32, #tpu.memory_space<hbm>> -> memref<256x32xf32, #tpu.memory_space<hbm>>
      tpu.enqueue_dma source(%dma_start3A_60 : memref<256x32xf32, #tpu.memory_space<hbm>>) target(%arg5 : memref<256x32xf32, #tpu.memory_space<vmem>>) target_semaphore(%arg8 : memref<!tpu.dma_semaphore, #tpu.memory_space<semaphore_mem>>)
    } else {
    }
    %add3A_12 = arith.constant 0 : i32
    %add3A_13 = arith.addi %add3A, %add3A_12 : i32
    %lt3A_14 = arith.constant 10156 : i32
    %lt3A_15 = arith.cmpi slt, %add3A_13, %lt3A_14 : i32
    %convert_element_type3A_16 = arith.extui %lt3A_15 : i1 to i32
    %cond3A_17 = arith.constant 0 : i32
    %cond3A_18 = arith.cmpi ne, %convert_element_type3A_16, %cond3A_17 : i32
    scf.if %cond3A_18 {
      %dma_wait3A_53 = arith.constant 0 : i32
      %dma_wait3A_54 = arith.constant 0 : i32
      %dma_wait3A_55 = tpu.memref_slice %arg2[%dma_wait3A_53, %dma_wait3A_54] : memref<2600000x32xf32, #tpu.memory_space<hbm>> -> memref<256x32xf32, #tpu.memory_space<hbm>>
      %dma_wait3A_56 = arith.constant 0 : i32
      %dma_wait3A_57 = arith.constant 0 : i32
      %dma_wait3A_58 = tpu.memref_slice %arg2[%dma_wait3A_56, %dma_wait3A_57] : memref<2600000x32xf32, #tpu.memory_space<hbm>> -> memref<256x32xf32, #tpu.memory_space<hbm>>
      tpu.wait_dma2 semaphore(%arg8 : memref<!tpu.dma_semaphore, #tpu.memory_space<semaphore_mem>>) src(%dma_wait3A_58 : memref<256x32xf32, #tpu.memory_space<hbm>>) dst(%arg4 : memref<256x32xf32, #tpu.memory_space<vmem>>)
      %scan3A_59 = arith.constant 0 : i32
      %scan3A_60 = arith.constant 0 : i32
      %scan3A_61 = arith.constant 64 : i32
      %scan3A_62 = arith.addi %scan3A_60, %scan3A_61 : i32
      %scan3A_63 = arith.constant 1 : i32
      scf.for %scan3A_73 = %scan3A_60 to %scan3A_62 step %scan3A_63  : i32 {
        %mul3A_74 = arith.constant 4 : i32
        %mul3A_75 = arith.muli %mul3A_74, %scan3A_73 : i32
        %add3A_76 = arith.constant 0 : i32
        %add3A_77 = arith.addi %mul3A_75, %add3A_76 : i32
        %get3A = arith.index_cast %add3A_77 : i32 to index
        %get3A_78 = arith.constant 0 : index
        %get3A_79 = tpu.vector_load %arg4[%get3A, %get3A_78] {strides = array<i32>} : memref<256x32xf32, #tpu.memory_space<vmem>>, vector<16xf32>,
        %swap3A = arith.index_cast %scan3A_73 : i32 to index
        %swap3A_80 = arith.constant 0 : index
        %swap3A_81 = tpu.vector_load %arg6[%swap3A, %swap3A_80] {strides = array<i32>} : memref<64x128xf32, #tpu.memory_space<vmem>>, vector<16xf32>,
        tpu.vector_store %arg6[%swap3A, %swap3A_80], %get3A_79 {strides = array<i32>} : memref<64x128xf32, #tpu.memory_space<vmem>>, vector<16xf32>,
        %mul3A_82 = arith.constant 4 : i32
        %mul3A_83 = arith.muli %mul3A_82, %scan3A_73 : i32
        %add3A_84 = arith.constant 0 : i32
        %add3A_85 = arith.addi %mul3A_83, %add3A_84 : i32
        %get3A_86 = arith.index_cast %add3A_85 : i32 to index
        %get3A_87 = arith.constant 16 : index
        %get3A_88 = tpu.vector_load %arg4[%get3A_86, %get3A_87] {strides = array<i32>} : memref<256x32xf32, #tpu.memory_space<vmem>>, vector<16xf32>,
        %swap3A_89 = arith.index_cast %scan3A_73 : i32 to index
        %swap3A_90 = arith.constant 16 : index
        %swap3A_91 = tpu.vector_load %arg6[%swap3A_89, %swap3A_90] {strides = array<i32>} : memref<64x128xf32, #tpu.memory_space<vmem>>, vector<16xf32>,
        tpu.vector_store %arg6[%swap3A_89, %swap3A_90], %get3A_88 {strides = array<i32>} : memref<64x128xf32, #tpu.memory_space<vmem>>, vector<16xf32>,
        %mul3A_92 = arith.constant 4 : i32
        %mul3A_93 = arith.muli %mul3A_92, %scan3A_73 : i32
        %add3A_94 = arith.constant 1 : i32
        %add3A_95 = arith.addi %mul3A_93, %add3A_94 : i32
        %get3A_96 = arith.index_cast %add3A_95 : i32 to index
        %get3A_97 = arith.constant 0 : index
        %get3A_98 = tpu.vector_load %arg4[%get3A_96, %get3A_97] {strides = array<i32>} : memref<256x32xf32, #tpu.memory_space<vmem>>, vector<16xf32>,
        %swap3A_99 = arith.index_cast %scan3A_73 : i32 to index
        %swap3A_100 = arith.constant 32 : index
        %swap3A_101 = tpu.vector_load %arg6[%swap3A_99, %swap3A_100] {strides = array<i32>} : memref<64x128xf32, #tpu.memory_space<vmem>>, vector<16xf32>,
        tpu.vector_store %arg6[%swap3A_99, %swap3A_100], %get3A_98 {strides = array<i32>} : memref<64x128xf32, #tpu.memory_space<vmem>>, vector<16xf32>,
        %mul3A_102 = arith.constant 4 : i32
        %mul3A_103 = arith.muli %mul3A_102, %scan3A_73 : i32
        %add3A_104 = arith.constant 1 : i32
        %add3A_105 = arith.addi %mul3A_103, %add3A_104 : i32
        %get3A_106 = arith.index_cast %add3A_105 : i32 to index
        %get3A_107 = arith.constant 16 : index
        %get3A_108 = tpu.vector_load %arg4[%get3A_106, %get3A_107] {strides = array<i32>} : memref<256x32xf32, #tpu.memory_space<vmem>>, vector<16xf32>,
        %swap3A_109 = arith.index_cast %scan3A_73 : i32 to index
        %swap3A_110 = arith.constant 48 : index
        %swap3A_111 = tpu.vector_load %arg6[%swap3A_109, %swap3A_110] {strides = array<i32>} : memref<64x128xf32, #tpu.memory_space<vmem>>, vector<16xf32>,
        tpu.vector_store %arg6[%swap3A_109, %swap3A_110], %get3A_108 {strides = array<i32>} : memref<64x128xf32, #tpu.memory_space<vmem>>, vector<16xf32>,
        %mul3A_112 = arith.constant 4 : i32
        %mul3A_113 = arith.muli %mul3A_112, %scan3A_73 : i32
        %add3A_114 = arith.constant 2 : i32
        %add3A_115 = arith.addi %mul3A_113, %add3A_114 : i32
        %get3A_116 = arith.index_cast %add3A_115 : i32 to index
        %get3A_117 = arith.constant 0 : index
        %get3A_118 = tpu.vector_load %arg4[%get3A_116, %get3A_117] {strides = array<i32>} : memref<256x32xf32, #tpu.memory_space<vmem>>, vector<16xf32>,
        %swap3A_119 = arith.index_cast %scan3A_73 : i32 to index
        %swap3A_120 = arith.constant 64 : index
        %swap3A_121 = tpu.vector_load %arg6[%swap3A_119, %swap3A_120] {strides = array<i32>} : memref<64x128xf32, #tpu.memory_space<vmem>>, vector<16xf32>,
        tpu.vector_store %arg6[%swap3A_119, %swap3A_120], %get3A_118 {strides = array<i32>} : memref<64x128xf32, #tpu.memory_space<vmem>>, vector<16xf32>,
        %mul3A_122 = arith.constant 4 : i32
        %mul3A_123 = arith.muli %mul3A_122, %scan3A_73 : i32
        %add3A_124 = arith.constant 2 : i32
        %add3A_125 = arith.addi %mul3A_123, %add3A_124 : i32
        %get3A_126 = arith.index_cast %add3A_125 : i32 to index
        %get3A_127 = arith.constant 16 : index
        %get3A_128 = tpu.vector_load %arg4[%get3A_126, %get3A_127] {strides = array<i32>} : memref<256x32xf32, #tpu.memory_space<vmem>>, vector<16xf32>,
        %swap3A_129 = arith.index_cast %scan3A_73 : i32 to index
        %swap3A_130 = arith.constant 80 : index
        %swap3A_131 = tpu.vector_load %arg6[%swap3A_129, %swap3A_130] {strides = array<i32>} : memref<64x128xf32, #tpu.memory_space<vmem>>, vector<16xf32>,
        tpu.vector_store %arg6[%swap3A_129, %swap3A_130], %get3A_128 {strides = array<i32>} : memref<64x128xf32, #tpu.memory_space<vmem>>, vector<16xf32>,
        %mul3A_132 = arith.constant 4 : i32
        %mul3A_133 = arith.muli %mul3A_132, %scan3A_73 : i32
        %add3A_134 = arith.constant 3 : i32
        %add3A_135 = arith.addi %mul3A_133, %add3A_134 : i32
        %get3A_136 = arith.index_cast %add3A_135 : i32 to index
        %get3A_137 = arith.constant 0 : index
        %get3A_138 = tpu.vector_load %arg4[%get3A_136, %get3A_137] {strides = array<i32>} : memref<256x32xf32, #tpu.memory_space<vmem>>, vector<16xf32>,
        %swap3A_139 = arith.index_cast %scan3A_73 : i32 to index
        %swap3A_140 = arith.constant 96 : index
        %swap3A_141 = tpu.vector_load %arg6[%swap3A_139, %swap3A_140] {strides = array<i32>} : memref<64x128xf32, #tpu.memory_space<vmem>>, vector<16xf32>,
        tpu.vector_store %arg6[%swap3A_139, %swap3A_140], %get3A_138 {strides = array<i32>} : memref<64x128xf32, #tpu.memory_space<vmem>>, vector<16xf32>,
        %mul3A_142 = arith.constant 4 : i32
        %mul3A_143 = arith.muli %mul3A_142, %scan3A_73 : i32
        %add3A_144 = arith.constant 3 : i32
        %add3A_145 = arith.addi %mul3A_143, %add3A_144 : i32
        %get3A_146 = arith.index_cast %add3A_145 : i32 to index
        %get3A_147 = arith.constant 16 : index
        %get3A_148 = tpu.vector_load %arg4[%get3A_146, %get3A_147] {strides = array<i32>} : memref<256x32xf32, #tpu.memory_space<vmem>>, vector<16xf32>,
        %swap3A_149 = arith.index_cast %scan3A_73 : i32 to index
        %swap3A_150 = arith.constant 112 : index
        %swap3A_151 = tpu.vector_load %arg6[%swap3A_149, %swap3A_150] {strides = array<i32>} : memref<64x128xf32, #tpu.memory_space<vmem>>, vector<16xf32>,
        tpu.vector_store %arg6[%swap3A_149, %swap3A_150], %get3A_148 {strides = array<i32>} : memref<64x128xf32, #tpu.memory_space<vmem>>, vector<16xf32>,
      }
      %scan3A_64 = arith.constant 64 : i32
      %add3A_65 = arith.constant 0 : i32
      %add3A_66 = arith.addi %add3A, %add3A_65 : i32
      %mul3A_67 = arith.constant 64 : i32
      %mul3A_68 = arith.muli %add3A_66, %mul3A_67 : i32
      %dma_start3A_69 = arith.constant 0 : i32
      %dma_start3A_70 = tpu.memref_slice %arg3[%mul3A_68, %dma_start3A_69] : memref<650000x128xf32, #tpu.memory_space<hbm>> -> memref<64x128xf32, #tpu.memory_space<hbm>>
      %dma_start3A_71 = arith.constant 0 : i32
      %dma_start3A_72 = tpu.memref_slice %arg3[%mul3A_68, %dma_start3A_71] : memref<650000x128xf32, #tpu.memory_space<hbm>> -> memref<64x128xf32, #tpu.memory_space<hbm>>
      tpu.enqueue_dma source(%arg6 : memref<64x128xf32, #tpu.memory_space<vmem>>) target(%dma_start3A_72 : memref<64x128xf32, #tpu.memory_space<hbm>>) target_semaphore(%arg9 : memref<!tpu.dma_semaphore, #tpu.memory_space<semaphore_mem>>)
    } else {
    }
    %add3A_19 = arith.constant 64 : i32
    %add3A_20 = arith.addi %add3A, %add3A_19 : i32
    %lt3A_21 = arith.constant 10156 : i32
    %lt3A_22 = arith.cmpi slt, %add3A_20, %lt3A_21 : i32
    %convert_element_type3A_23 = arith.extui %lt3A_22 : i1 to i32
    %cond3A_24 = arith.constant 0 : i32
    %cond3A_25 = arith.cmpi ne, %convert_element_type3A_23, %cond3A_24 : i32
    scf.if %cond3A_25 {
      %add3A_53 = arith.constant 64 : i32
      %add3A_54 = arith.addi %add3A, %add3A_53 : i32
      %mul3A_55 = arith.constant 256 : i32
      %mul3A_56 = arith.muli %add3A_54, %mul3A_55 : i32
      %dma_start3A_57 = arith.constant 0 : i32
      %dma_start3A_58 = tpu.memref_slice %arg2[%mul3A_56, %dma_start3A_57] : memref<2600000x32xf32, #tpu.memory_space<hbm>> -> memref<256x32xf32, #tpu.memory_space<hbm>>
      %dma_start3A_59 = arith.constant 0 : i32
      %dma_start3A_60 = tpu.memref_slice %arg2[%mul3A_56, %dma_start3A_59] : memref<2600000x32xf32, #tpu.memory_space<hbm>> -> memref<256x32xf32, #tpu.memory_space<hbm>>
      tpu.enqueue_dma source(%dma_start3A_60 : memref<256x32xf32, #tpu.memory_space<hbm>>) target(%arg4 : memref<256x32xf32, #tpu.memory_space<vmem>>) target_semaphore(%arg8 : memref<!tpu.dma_semaphore, #tpu.memory_space<semaphore_mem>>)
    } else {
    }
    %add3A_26 = arith.constant 32 : i32
    %add3A_27 = arith.addi %add3A, %add3A_26 : i32
    %lt3A_28 = arith.constant 10156 : i32
    %lt3A_29 = arith.cmpi slt, %add3A_27, %lt3A_28 : i32
    %convert_element_type3A_30 = arith.extui %lt3A_29 : i1 to i32
    %cond3A_31 = arith.constant 0 : i32
    %cond3A_32 = arith.cmpi ne, %convert_element_type3A_30, %cond3A_31 : i32
    scf.if %cond3A_32 {
      %dma_wait3A_53 = arith.constant 0 : i32
      %dma_wait3A_54 = arith.constant 0 : i32
      %dma_wait3A_55 = tpu.memref_slice %arg2[%dma_wait3A_53, %dma_wait3A_54] : memref<2600000x32xf32, #tpu.memory_space<hbm>> -> memref<256x32xf32, #tpu.memory_space<hbm>>
      %dma_wait3A_56 = arith.constant 0 : i32
      %dma_wait3A_57 = arith.constant 0 : i32
      %dma_wait3A_58 = tpu.memref_slice %arg2[%dma_wait3A_56, %dma_wait3A_57] : memref<2600000x32xf32, #tpu.memory_space<hbm>> -> memref<256x32xf32, #tpu.memory_space<hbm>>
      tpu.wait_dma2 semaphore(%arg8 : memref<!tpu.dma_semaphore, #tpu.memory_space<semaphore_mem>>) src(%dma_wait3A_58 : memref<256x32xf32, #tpu.memory_space<hbm>>) dst(%arg5 : memref<256x32xf32, #tpu.memory_space<vmem>>)
      %scan3A_59 = arith.constant 0 : i32
      %scan3A_60 = arith.constant 0 : i32
      %scan3A_61 = arith.constant 64 : i32
      %scan3A_62 = arith.addi %scan3A_60, %scan3A_61 : i32
      %scan3A_63 = arith.constant 1 : i32
      scf.for %scan3A_73 = %scan3A_60 to %scan3A_62 step %scan3A_63  : i32 {
        %mul3A_74 = arith.constant 4 : i32
        %mul3A_75 = arith.muli %mul3A_74, %scan3A_73 : i32
        %add3A_76 = arith.constant 0 : i32
        %add3A_77 = arith.addi %mul3A_75, %add3A_76 : i32
        %get3A = arith.index_cast %add3A_77 : i32 to index
        %get3A_78 = arith.constant 0 : index
        %get3A_79 = tpu.vector_load %arg5[%get3A, %get3A_78] {strides = array<i32>} : memref<256x32xf32, #tpu.memory_space<vmem>>, vector<16xf32>,
        %swap3A = arith.index_cast %scan3A_73 : i32 to index
        %swap3A_80 = arith.constant 0 : index
        %swap3A_81 = tpu.vector_load %arg7[%swap3A, %swap3A_80] {strides = array<i32>} : memref<64x128xf32, #tpu.memory_space<vmem>>, vector<16xf32>,
        tpu.vector_store %arg7[%swap3A, %swap3A_80], %get3A_79 {strides = array<i32>} : memref<64x128xf32, #tpu.memory_space<vmem>>, vector<16xf32>,
        %mul3A_82 = arith.constant 4 : i32
        %mul3A_83 = arith.muli %mul3A_82, %scan3A_73 : i32
        %add3A_84 = arith.constant 0 : i32
        %add3A_85 = arith.addi %mul3A_83, %add3A_84 : i32
        %get3A_86 = arith.index_cast %add3A_85 : i32 to index
        %get3A_87 = arith.constant 16 : index
        %get3A_88 = tpu.vector_load %arg5[%get3A_86, %get3A_87] {strides = array<i32>} : memref<256x32xf32, #tpu.memory_space<vmem>>, vector<16xf32>,
        %swap3A_89 = arith.index_cast %scan3A_73 : i32 to index
        %swap3A_90 = arith.constant 16 : index
        %swap3A_91 = tpu.vector_load %arg7[%swap3A_89, %swap3A_90] {strides = array<i32>} : memref<64x128xf32, #tpu.memory_space<vmem>>, vector<16xf32>,
        tpu.vector_store %arg7[%swap3A_89, %swap3A_90], %get3A_88 {strides = array<i32>} : memref<64x128xf32, #tpu.memory_space<vmem>>, vector<16xf32>,
        %mul3A_92 = arith.constant 4 : i32
        %mul3A_93 = arith.muli %mul3A_92, %scan3A_73 : i32
        %add3A_94 = arith.constant 1 : i32
        %add3A_95 = arith.addi %mul3A_93, %add3A_94 : i32
        %get3A_96 = arith.index_cast %add3A_95 : i32 to index
        %get3A_97 = arith.constant 0 : index
        %get3A_98 = tpu.vector_load %arg5[%get3A_96, %get3A_97] {strides = array<i32>} : memref<256x32xf32, #tpu.memory_space<vmem>>, vector<16xf32>,
        %swap3A_99 = arith.index_cast %scan3A_73 : i32 to index
        %swap3A_100 = arith.constant 32 : index
        %swap3A_101 = tpu.vector_load %arg7[%swap3A_99, %swap3A_100] {strides = array<i32>} : memref<64x128xf32, #tpu.memory_space<vmem>>, vector<16xf32>,
        tpu.vector_store %arg7[%swap3A_99, %swap3A_100], %get3A_98 {strides = array<i32>} : memref<64x128xf32, #tpu.memory_space<vmem>>, vector<16xf32>,
        %mul3A_102 = arith.constant 4 : i32
        %mul3A_103 = arith.muli %mul3A_102, %scan3A_73 : i32
        %add3A_104 = arith.constant 1 : i32
        %add3A_105 = arith.addi %mul3A_103, %add3A_104 : i32
        %get3A_106 = arith.index_cast %add3A_105 : i32 to index
        %get3A_107 = arith.constant 16 : index
        %get3A_108 = tpu.vector_load %arg5[%get3A_106, %get3A_107] {strides = array<i32>} : memref<256x32xf32, #tpu.memory_space<vmem>>, vector<16xf32>,
        %swap3A_109 = arith.index_cast %scan3A_73 : i32 to index
        %swap3A_110 = arith.constant 48 : index
        %swap3A_111 = tpu.vector_load %arg7[%swap3A_109, %swap3A_110] {strides = array<i32>} : memref<64x128xf32, #tpu.memory_space<vmem>>, vector<16xf32>,
        tpu.vector_store %arg7[%swap3A_109, %swap3A_110], %get3A_108 {strides = array<i32>} : memref<64x128xf32, #tpu.memory_space<vmem>>, vector<16xf32>,
        %mul3A_112 = arith.constant 4 : i32
        %mul3A_113 = arith.muli %mul3A_112, %scan3A_73 : i32
        %add3A_114 = arith.constant 2 : i32
        %add3A_115 = arith.addi %mul3A_113, %add3A_114 : i32
        %get3A_116 = arith.index_cast %add3A_115 : i32 to index
        %get3A_117 = arith.constant 0 : index
        %get3A_118 = tpu.vector_load %arg5[%get3A_116, %get3A_117] {strides = array<i32>} : memref<256x32xf32, #tpu.memory_space<vmem>>, vector<16xf32>,
        %swap3A_119 = arith.index_cast %scan3A_73 : i32 to index
        %swap3A_120 = arith.constant 64 : index
        %swap3A_121 = tpu.vector_load %arg7[%swap3A_119, %swap3A_120] {strides = array<i32>} : memref<64x128xf32, #tpu.memory_space<vmem>>, vector<16xf32>,
        tpu.vector_store %arg7[%swap3A_119, %swap3A_120], %get3A_118 {strides = array<i32>} : memref<64x128xf32, #tpu.memory_space<vmem>>, vector<16xf32>,
        %mul3A_122 = arith.constant 4 : i32
        %mul3A_123 = arith.muli %mul3A_122, %scan3A_73 : i32
        %add3A_124 = arith.constant 2 : i32
        %add3A_125 = arith.addi %mul3A_123, %add3A_124 : i32
        %get3A_126 = arith.index_cast %add3A_125 : i32 to index
        %get3A_127 = arith.constant 16 : index
        %get3A_128 = tpu.vector_load %arg5[%get3A_126, %get3A_127] {strides = array<i32>} : memref<256x32xf32, #tpu.memory_space<vmem>>, vector<16xf32>,
        %swap3A_129 = arith.index_cast %scan3A_73 : i32 to index
        %swap3A_130 = arith.constant 80 : index
        %swap3A_131 = tpu.vector_load %arg7[%swap3A_129, %swap3A_130] {strides = array<i32>} : memref<64x128xf32, #tpu.memory_space<vmem>>, vector<16xf32>,
        tpu.vector_store %arg7[%swap3A_129, %swap3A_130], %get3A_128 {strides = array<i32>} : memref<64x128xf32, #tpu.memory_space<vmem>>, vector<16xf32>,
        %mul3A_132 = arith.constant 4 : i32
        %mul3A_133 = arith.muli %mul3A_132, %scan3A_73 : i32
        %add3A_134 = arith.constant 3 : i32
        %add3A_135 = arith.addi %mul3A_133, %add3A_134 : i32
        %get3A_136 = arith.index_cast %add3A_135 : i32 to index
        %get3A_137 = arith.constant 0 : index
        %get3A_138 = tpu.vector_load %arg5[%get3A_136, %get3A_137] {strides = array<i32>} : memref<256x32xf32, #tpu.memory_space<vmem>>, vector<16xf32>,
        %swap3A_139 = arith.index_cast %scan3A_73 : i32 to index
        %swap3A_140 = arith.constant 96 : index
        %swap3A_141 = tpu.vector_load %arg7[%swap3A_139, %swap3A_140] {strides = array<i32>} : memref<64x128xf32, #tpu.memory_space<vmem>>, vector<16xf32>,
        tpu.vector_store %arg7[%swap3A_139, %swap3A_140], %get3A_138 {strides = array<i32>} : memref<64x128xf32, #tpu.memory_space<vmem>>, vector<16xf32>,
        %mul3A_142 = arith.constant 4 : i32
        %mul3A_143 = arith.muli %mul3A_142, %scan3A_73 : i32
        %add3A_144 = arith.constant 3 : i32
        %add3A_145 = arith.addi %mul3A_143, %add3A_144 : i32
        %get3A_146 = arith.index_cast %add3A_145 : i32 to index
        %get3A_147 = arith.constant 16 : index
        %get3A_148 = tpu.vector_load %arg5[%get3A_146, %get3A_147] {strides = array<i32>} : memref<256x32xf32, #tpu.memory_space<vmem>>, vector<16xf32>,
        %swap3A_149 = arith.index_cast %scan3A_73 : i32 to index
        %swap3A_150 = arith.constant 112 : index
        %swap3A_151 = tpu.vector_load %arg7[%swap3A_149, %swap3A_150] {strides = array<i32>} : memref<64x128xf32, #tpu.memory_space<vmem>>, vector<16xf32>,
        tpu.vector_store %arg7[%swap3A_149, %swap3A_150], %get3A_148 {strides = array<i32>} : memref<64x128xf32, #tpu.memory_space<vmem>>, vector<16xf32>,
      }
      %scan3A_64 = arith.constant 64 : i32
      %add3A_65 = arith.constant 32 : i32
      %add3A_66 = arith.addi %add3A, %add3A_65 : i32
      %mul3A_67 = arith.constant 64 : i32
      %mul3A_68 = arith.muli %add3A_66, %mul3A_67 : i32
      %dma_start3A_69 = arith.constant 0 : i32
      %dma_start3A_70 = tpu.memref_slice %arg3[%mul3A_68, %dma_start3A_69] : memref<650000x128xf32, #tpu.memory_space<hbm>> -> memref<64x128xf32, #tpu.memory_space<hbm>>
      %dma_start3A_71 = arith.constant 0 : i32
      %dma_start3A_72 = tpu.memref_slice %arg3[%mul3A_68, %dma_start3A_71] : memref<650000x128xf32, #tpu.memory_space<hbm>> -> memref<64x128xf32, #tpu.memory_space<hbm>>
      tpu.enqueue_dma source(%arg7 : memref<64x128xf32, #tpu.memory_space<vmem>>) target(%dma_start3A_72 : memref<64x128xf32, #tpu.memory_space<hbm>>) target_semaphore(%arg9 : memref<!tpu.dma_semaphore, #tpu.memory_space<semaphore_mem>>)
    } else {
    }
    %scan3A = arith.constant 0 : i32
    %scan3A_33 = arith.constant 1 : i32
    %scan3A_34 = arith.constant 159 : i32
    %scan3A_35 = arith.addi %scan3A_33, %scan3A_34 : i32
    %scan3A_36 = arith.constant 1 : i32
    scf.for %scan3A_53 = %scan3A_33 to %scan3A_35 step %scan3A_36  : i32 {
      %mul3A_54 = arith.constant 2 : i32
      %mul3A_55 = arith.muli %mul3A_54, %scan3A_53 : i32
      %add3A_56 = arith.constant 1 : i32
      %add3A_57 = arith.addi %mul3A_55, %add3A_56 : i32
      %mul3A_58 = arith.constant 32 : i32
      %mul3A_59 = arith.muli %mul3A_58, %add3A_57 : i32
      %add3A_60 = arith.addi %add3A, %mul3A_59 : i32
      %lt3A_61 = arith.constant 10156 : i32
      %lt3A_62 = arith.cmpi slt, %add3A_60, %lt3A_61 : i32
      %convert_element_type3A_63 = arith.extui %lt3A_62 : i1 to i32
      %cond3A_64 = arith.constant 0 : i32
      %cond3A_65 = arith.cmpi ne, %convert_element_type3A_63, %cond3A_64 : i32
      scf.if %cond3A_65 {
        %add3A_96 = arith.constant 1 : i32
        %add3A_97 = arith.addi %mul3A_55, %add3A_96 : i32
        %mul3A_98 = arith.constant 32 : i32
        %mul3A_99 = arith.muli %mul3A_98, %add3A_97 : i32
        %add3A_100 = arith.addi %add3A, %mul3A_99 : i32
        %mul3A_101 = arith.constant 256 : i32
        %mul3A_102 = arith.muli %add3A_100, %mul3A_101 : i32
        %dma_start3A_103 = arith.constant 0 : i32
        %dma_start3A_104 = tpu.memref_slice %arg2[%mul3A_102, %dma_start3A_103] : memref<2600000x32xf32, #tpu.memory_space<hbm>> -> memref<256x32xf32, #tpu.memory_space<hbm>>
        %dma_start3A_105 = arith.constant 0 : i32
        %dma_start3A_106 = tpu.memref_slice %arg2[%mul3A_102, %dma_start3A_105] : memref<2600000x32xf32, #tpu.memory_space<hbm>> -> memref<256x32xf32, #tpu.memory_space<hbm>>
        tpu.enqueue_dma source(%dma_start3A_106 : memref<256x32xf32, #tpu.memory_space<hbm>>) target(%arg5 : memref<256x32xf32, #tpu.memory_space<vmem>>) target_semaphore(%arg8 : memref<!tpu.dma_semaphore, #tpu.memory_space<semaphore_mem>>)
      } else {
      }
      %mul3A_66 = arith.constant 32 : i32
      %mul3A_67 = arith.muli %mul3A_66, %mul3A_55 : i32
      %add3A_68 = arith.addi %add3A, %mul3A_67 : i32
      %lt3A_69 = arith.constant 10156 : i32
      %lt3A_70 = arith.cmpi slt, %add3A_68, %lt3A_69 : i32
      %convert_element_type3A_71 = arith.extui %lt3A_70 : i1 to i32
      %cond3A_72 = arith.constant 0 : i32
      %cond3A_73 = arith.cmpi ne, %convert_element_type3A_71, %cond3A_72 : i32
      scf.if %cond3A_73 {
        %dma_wait3A_96 = arith.constant 0 : i32
        %dma_wait3A_97 = arith.constant 0 : i32
        %dma_wait3A_98 = tpu.memref_slice %arg2[%dma_wait3A_96, %dma_wait3A_97] : memref<2600000x32xf32, #tpu.memory_space<hbm>> -> memref<256x32xf32, #tpu.memory_space<hbm>>
        %dma_wait3A_99 = arith.constant 0 : i32
        %dma_wait3A_100 = arith.constant 0 : i32
        %dma_wait3A_101 = tpu.memref_slice %arg2[%dma_wait3A_99, %dma_wait3A_100] : memref<2600000x32xf32, #tpu.memory_space<hbm>> -> memref<256x32xf32, #tpu.memory_space<hbm>>
        tpu.wait_dma2 semaphore(%arg8 : memref<!tpu.dma_semaphore, #tpu.memory_space<semaphore_mem>>) src(%dma_wait3A_101 : memref<256x32xf32, #tpu.memory_space<hbm>>) dst(%arg4 : memref<256x32xf32, #tpu.memory_space<vmem>>)
        %scan3A_102 = arith.constant 0 : i32
        %scan3A_103 = arith.constant 0 : i32
        %scan3A_104 = arith.constant 64 : i32
        %scan3A_105 = arith.addi %scan3A_103, %scan3A_104 : i32
        %scan3A_106 = arith.constant 1 : i32
        scf.for %scan3A_123 = %scan3A_103 to %scan3A_105 step %scan3A_106  : i32 {
          %mul3A_124 = arith.constant 4 : i32
          %mul3A_125 = arith.muli %mul3A_124, %scan3A_123 : i32
          %add3A_126 = arith.constant 0 : i32
          %add3A_127 = arith.addi %mul3A_125, %add3A_126 : i32
          %get3A = arith.index_cast %add3A_127 : i32 to index
          %get3A_128 = arith.constant 0 : index
          %get3A_129 = tpu.vector_load %arg4[%get3A, %get3A_128] {strides = array<i32>} : memref<256x32xf32, #tpu.memory_space<vmem>>, vector<16xf32>,
          %swap3A = arith.index_cast %scan3A_123 : i32 to index
          %swap3A_130 = arith.constant 0 : index
          %swap3A_131 = tpu.vector_load %arg6[%swap3A, %swap3A_130] {strides = array<i32>} : memref<64x128xf32, #tpu.memory_space<vmem>>, vector<16xf32>,
          tpu.vector_store %arg6[%swap3A, %swap3A_130], %get3A_129 {strides = array<i32>} : memref<64x128xf32, #tpu.memory_space<vmem>>, vector<16xf32>,
          %mul3A_132 = arith.constant 4 : i32
          %mul3A_133 = arith.muli %mul3A_132, %scan3A_123 : i32
          %add3A_134 = arith.constant 0 : i32
          %add3A_135 = arith.addi %mul3A_133, %add3A_134 : i32
          %get3A_136 = arith.index_cast %add3A_135 : i32 to index
          %get3A_137 = arith.constant 16 : index
          %get3A_138 = tpu.vector_load %arg4[%get3A_136, %get3A_137] {strides = array<i32>} : memref<256x32xf32, #tpu.memory_space<vmem>>, vector<16xf32>,
          %swap3A_139 = arith.index_cast %scan3A_123 : i32 to index
          %swap3A_140 = arith.constant 16 : index
          %swap3A_141 = tpu.vector_load %arg6[%swap3A_139, %swap3A_140] {strides = array<i32>} : memref<64x128xf32, #tpu.memory_space<vmem>>, vector<16xf32>,
          tpu.vector_store %arg6[%swap3A_139, %swap3A_140], %get3A_138 {strides = array<i32>} : memref<64x128xf32, #tpu.memory_space<vmem>>, vector<16xf32>,
          %mul3A_142 = arith.constant 4 : i32
          %mul3A_143 = arith.muli %mul3A_142, %scan3A_123 : i32
          %add3A_144 = arith.constant 1 : i32
          %add3A_145 = arith.addi %mul3A_143, %add3A_144 : i32
          %get3A_146 = arith.index_cast %add3A_145 : i32 to index
          %get3A_147 = arith.constant 0 : index
          %get3A_148 = tpu.vector_load %arg4[%get3A_146, %get3A_147] {strides = array<i32>} : memref<256x32xf32, #tpu.memory_space<vmem>>, vector<16xf32>,
          %swap3A_149 = arith.index_cast %scan3A_123 : i32 to index
          %swap3A_150 = arith.constant 32 : index
          %swap3A_151 = tpu.vector_load %arg6[%swap3A_149, %swap3A_150] {strides = array<i32>} : memref<64x128xf32, #tpu.memory_space<vmem>>, vector<16xf32>,
          tpu.vector_store %arg6[%swap3A_149, %swap3A_150], %get3A_148 {strides = array<i32>} : memref<64x128xf32, #tpu.memory_space<vmem>>, vector<16xf32>,
          %mul3A_152 = arith.constant 4 : i32
          %mul3A_153 = arith.muli %mul3A_152, %scan3A_123 : i32
          %add3A_154 = arith.constant 1 : i32
          %add3A_155 = arith.addi %mul3A_153, %add3A_154 : i32
          %get3A_156 = arith.index_cast %add3A_155 : i32 to index
          %get3A_157 = arith.constant 16 : index
          %get3A_158 = tpu.vector_load %arg4[%get3A_156, %get3A_157] {strides = array<i32>} : memref<256x32xf32, #tpu.memory_space<vmem>>, vector<16xf32>,
          %swap3A_159 = arith.index_cast %scan3A_123 : i32 to index
          %swap3A_160 = arith.constant 48 : index
          %swap3A_161 = tpu.vector_load %arg6[%swap3A_159, %swap3A_160] {strides = array<i32>} : memref<64x128xf32, #tpu.memory_space<vmem>>, vector<16xf32>,
          tpu.vector_store %arg6[%swap3A_159, %swap3A_160], %get3A_158 {strides = array<i32>} : memref<64x128xf32, #tpu.memory_space<vmem>>, vector<16xf32>,
          %mul3A_162 = arith.constant 4 : i32
          %mul3A_163 = arith.muli %mul3A_162, %scan3A_123 : i32
          %add3A_164 = arith.constant 2 : i32
          %add3A_165 = arith.addi %mul3A_163, %add3A_164 : i32
          %get3A_166 = arith.index_cast %add3A_165 : i32 to index
          %get3A_167 = arith.constant 0 : index
          %get3A_168 = tpu.vector_load %arg4[%get3A_166, %get3A_167] {strides = array<i32>} : memref<256x32xf32, #tpu.memory_space<vmem>>, vector<16xf32>,
          %swap3A_169 = arith.index_cast %scan3A_123 : i32 to index
          %swap3A_170 = arith.constant 64 : index
          %swap3A_171 = tpu.vector_load %arg6[%swap3A_169, %swap3A_170] {strides = array<i32>} : memref<64x128xf32, #tpu.memory_space<vmem>>, vector<16xf32>,
          tpu.vector_store %arg6[%swap3A_169, %swap3A_170], %get3A_168 {strides = array<i32>} : memref<64x128xf32, #tpu.memory_space<vmem>>, vector<16xf32>,
          %mul3A_172 = arith.constant 4 : i32
          %mul3A_173 = arith.muli %mul3A_172, %scan3A_123 : i32
          %add3A_174 = arith.constant 2 : i32
          %add3A_175 = arith.addi %mul3A_173, %add3A_174 : i32
          %get3A_176 = arith.index_cast %add3A_175 : i32 to index
          %get3A_177 = arith.constant 16 : index
          %get3A_178 = tpu.vector_load %arg4[%get3A_176, %get3A_177] {strides = array<i32>} : memref<256x32xf32, #tpu.memory_space<vmem>>, vector<16xf32>,
          %swap3A_179 = arith.index_cast %scan3A_123 : i32 to index
          %swap3A_180 = arith.constant 80 : index
          %swap3A_181 = tpu.vector_load %arg6[%swap3A_179, %swap3A_180] {strides = array<i32>} : memref<64x128xf32, #tpu.memory_space<vmem>>, vector<16xf32>,
          tpu.vector_store %arg6[%swap3A_179, %swap3A_180], %get3A_178 {strides = array<i32>} : memref<64x128xf32, #tpu.memory_space<vmem>>, vector<16xf32>,
          %mul3A_182 = arith.constant 4 : i32
          %mul3A_183 = arith.muli %mul3A_182, %scan3A_123 : i32
          %add3A_184 = arith.constant 3 : i32
          %add3A_185 = arith.addi %mul3A_183, %add3A_184 : i32
          %get3A_186 = arith.index_cast %add3A_185 : i32 to index
          %get3A_187 = arith.constant 0 : index
          %get3A_188 = tpu.vector_load %arg4[%get3A_186, %get3A_187] {strides = array<i32>} : memref<256x32xf32, #tpu.memory_space<vmem>>, vector<16xf32>,
          %swap3A_189 = arith.index_cast %scan3A_123 : i32 to index
          %swap3A_190 = arith.constant 96 : index
          %swap3A_191 = tpu.vector_load %arg6[%swap3A_189, %swap3A_190] {strides = array<i32>} : memref<64x128xf32, #tpu.memory_space<vmem>>, vector<16xf32>,
          tpu.vector_store %arg6[%swap3A_189, %swap3A_190], %get3A_188 {strides = array<i32>} : memref<64x128xf32, #tpu.memory_space<vmem>>, vector<16xf32>,
          %mul3A_192 = arith.constant 4 : i32
          %mul3A_193 = arith.muli %mul3A_192, %scan3A_123 : i32
          %add3A_194 = arith.constant 3 : i32
          %add3A_195 = arith.addi %mul3A_193, %add3A_194 : i32
          %get3A_196 = arith.index_cast %add3A_195 : i32 to index
          %get3A_197 = arith.constant 16 : index
          %get3A_198 = tpu.vector_load %arg4[%get3A_196, %get3A_197] {strides = array<i32>} : memref<256x32xf32, #tpu.memory_space<vmem>>, vector<16xf32>,
          %swap3A_199 = arith.index_cast %scan3A_123 : i32 to index
          %swap3A_200 = arith.constant 112 : index
          %swap3A_201 = tpu.vector_load %arg6[%swap3A_199, %swap3A_200] {strides = array<i32>} : memref<64x128xf32, #tpu.memory_space<vmem>>, vector<16xf32>,
          tpu.vector_store %arg6[%swap3A_199, %swap3A_200], %get3A_198 {strides = array<i32>} : memref<64x128xf32, #tpu.memory_space<vmem>>, vector<16xf32>,
        }
        %scan3A_107 = arith.constant 64 : i32
        %dma_wait3A_108 = arith.constant 0 : i32
        %dma_wait3A_109 = arith.constant 0 : i32
        %dma_wait3A_110 = tpu.memref_slice %arg3[%dma_wait3A_108, %dma_wait3A_109] : memref<650000x128xf32, #tpu.memory_space<hbm>> -> memref<64x128xf32, #tpu.memory_space<hbm>>
        %dma_wait3A_111 = arith.constant 0 : i32
        %dma_wait3A_112 = arith.constant 0 : i32
        %dma_wait3A_113 = tpu.memref_slice %arg3[%dma_wait3A_111, %dma_wait3A_112] : memref<650000x128xf32, #tpu.memory_space<hbm>> -> memref<64x128xf32, #tpu.memory_space<hbm>>
        tpu.wait_dma2 semaphore(%arg9 : memref<!tpu.dma_semaphore, #tpu.memory_space<semaphore_mem>>) src(%dma_wait3A_113 : memref<64x128xf32, #tpu.memory_space<hbm>>) dst(%arg6 : memref<64x128xf32, #tpu.memory_space<vmem>>)
        %mul3A_114 = arith.constant 32 : i32
        %mul3A_115 = arith.muli %mul3A_114, %mul3A_55 : i32
        %add3A_116 = arith.addi %add3A, %mul3A_115 : i32
        %mul3A_117 = arith.constant 64 : i32
        %mul3A_118 = arith.muli %add3A_116, %mul3A_117 : i32
        %dma_start3A_119 = arith.constant 0 : i32
        %dma_start3A_120 = tpu.memref_slice %arg3[%mul3A_118, %dma_start3A_119] : memref<650000x128xf32, #tpu.memory_space<hbm>> -> memref<64x128xf32, #tpu.memory_space<hbm>>
        %dma_start3A_121 = arith.constant 0 : i32
        %dma_start3A_122 = tpu.memref_slice %arg3[%mul3A_118, %dma_start3A_121] : memref<650000x128xf32, #tpu.memory_space<hbm>> -> memref<64x128xf32, #tpu.memory_space<hbm>>
        tpu.enqueue_dma source(%arg6 : memref<64x128xf32, #tpu.memory_space<vmem>>) target(%dma_start3A_122 : memref<64x128xf32, #tpu.memory_space<hbm>>) target_semaphore(%arg9 : memref<!tpu.dma_semaphore, #tpu.memory_space<semaphore_mem>>)
      } else {
      }
      %mul3A_74 = arith.constant 2 : i32
      %mul3A_75 = arith.muli %mul3A_74, %scan3A_53 : i32
      %add3A_76 = arith.constant 1 : i32
      %add3A_77 = arith.addi %mul3A_75, %add3A_76 : i32
      %add3A_78 = arith.constant 1 : i32
      %add3A_79 = arith.addi %add3A_77, %add3A_78 : i32
      %mul3A_80 = arith.constant 32 : i32
      %mul3A_81 = arith.muli %mul3A_80, %add3A_79 : i32
      %add3A_82 = arith.addi %add3A, %mul3A_81 : i32
      %lt3A_83 = arith.constant 10156 : i32
      %lt3A_84 = arith.cmpi slt, %add3A_82, %lt3A_83 : i32
      %convert_element_type3A_85 = arith.extui %lt3A_84 : i1 to i32
      %cond3A_86 = arith.constant 0 : i32
      %cond3A_87 = arith.cmpi ne, %convert_element_type3A_85, %cond3A_86 : i32
      scf.if %cond3A_87 {
        %add3A_96 = arith.constant 1 : i32
        %add3A_97 = arith.addi %add3A_77, %add3A_96 : i32
        %mul3A_98 = arith.constant 32 : i32
        %mul3A_99 = arith.muli %mul3A_98, %add3A_97 : i32
        %add3A_100 = arith.addi %add3A, %mul3A_99 : i32
        %mul3A_101 = arith.constant 256 : i32
        %mul3A_102 = arith.muli %add3A_100, %mul3A_101 : i32
        %dma_start3A_103 = arith.constant 0 : i32
        %dma_start3A_104 = tpu.memref_slice %arg2[%mul3A_102, %dma_start3A_103] : memref<2600000x32xf32, #tpu.memory_space<hbm>> -> memref<256x32xf32, #tpu.memory_space<hbm>>
        %dma_start3A_105 = arith.constant 0 : i32
        %dma_start3A_106 = tpu.memref_slice %arg2[%mul3A_102, %dma_start3A_105] : memref<2600000x32xf32, #tpu.memory_space<hbm>> -> memref<256x32xf32, #tpu.memory_space<hbm>>
        tpu.enqueue_dma source(%dma_start3A_106 : memref<256x32xf32, #tpu.memory_space<hbm>>) target(%arg4 : memref<256x32xf32, #tpu.memory_space<vmem>>) target_semaphore(%arg8 : memref<!tpu.dma_semaphore, #tpu.memory_space<semaphore_mem>>)
      } else {
      }
      %mul3A_88 = arith.constant 32 : i32
      %mul3A_89 = arith.muli %mul3A_88, %add3A_77 : i32
      %add3A_90 = arith.addi %add3A, %mul3A_89 : i32
      %lt3A_91 = arith.constant 10156 : i32
      %lt3A_92 = arith.cmpi slt, %add3A_90, %lt3A_91 : i32
      %convert_element_type3A_93 = arith.extui %lt3A_92 : i1 to i32
      %cond3A_94 = arith.constant 0 : i32
      %cond3A_95 = arith.cmpi ne, %convert_element_type3A_93, %cond3A_94 : i32
      scf.if %cond3A_95 {
        %dma_wait3A_96 = arith.constant 0 : i32
        %dma_wait3A_97 = arith.constant 0 : i32
        %dma_wait3A_98 = tpu.memref_slice %arg2[%dma_wait3A_96, %dma_wait3A_97] : memref<2600000x32xf32, #tpu.memory_space<hbm>> -> memref<256x32xf32, #tpu.memory_space<hbm>>
        %dma_wait3A_99 = arith.constant 0 : i32
        %dma_wait3A_100 = arith.constant 0 : i32
        %dma_wait3A_101 = tpu.memref_slice %arg2[%dma_wait3A_99, %dma_wait3A_100] : memref<2600000x32xf32, #tpu.memory_space<hbm>> -> memref<256x32xf32, #tpu.memory_space<hbm>>
        tpu.wait_dma2 semaphore(%arg8 : memref<!tpu.dma_semaphore, #tpu.memory_space<semaphore_mem>>) src(%dma_wait3A_101 : memref<256x32xf32, #tpu.memory_space<hbm>>) dst(%arg5 : memref<256x32xf32, #tpu.memory_space<vmem>>)
        %scan3A_102 = arith.constant 0 : i32
        %scan3A_103 = arith.constant 0 : i32
        %scan3A_104 = arith.constant 64 : i32
        %scan3A_105 = arith.addi %scan3A_103, %scan3A_104 : i32
        %scan3A_106 = arith.constant 1 : i32
        scf.for %scan3A_123 = %scan3A_103 to %scan3A_105 step %scan3A_106  : i32 {
          %mul3A_124 = arith.constant 4 : i32
          %mul3A_125 = arith.muli %mul3A_124, %scan3A_123 : i32
          %add3A_126 = arith.constant 0 : i32
          %add3A_127 = arith.addi %mul3A_125, %add3A_126 : i32
          %get3A = arith.index_cast %add3A_127 : i32 to index
          %get3A_128 = arith.constant 0 : index
          %get3A_129 = tpu.vector_load %arg5[%get3A, %get3A_128] {strides = array<i32>} : memref<256x32xf32, #tpu.memory_space<vmem>>, vector<16xf32>,
          %swap3A = arith.index_cast %scan3A_123 : i32 to index
          %swap3A_130 = arith.constant 0 : index
          %swap3A_131 = tpu.vector_load %arg7[%swap3A, %swap3A_130] {strides = array<i32>} : memref<64x128xf32, #tpu.memory_space<vmem>>, vector<16xf32>,
          tpu.vector_store %arg7[%swap3A, %swap3A_130], %get3A_129 {strides = array<i32>} : memref<64x128xf32, #tpu.memory_space<vmem>>, vector<16xf32>,
          %mul3A_132 = arith.constant 4 : i32
          %mul3A_133 = arith.muli %mul3A_132, %scan3A_123 : i32
          %add3A_134 = arith.constant 0 : i32
          %add3A_135 = arith.addi %mul3A_133, %add3A_134 : i32
          %get3A_136 = arith.index_cast %add3A_135 : i32 to index
          %get3A_137 = arith.constant 16 : index
          %get3A_138 = tpu.vector_load %arg5[%get3A_136, %get3A_137] {strides = array<i32>} : memref<256x32xf32, #tpu.memory_space<vmem>>, vector<16xf32>,
          %swap3A_139 = arith.index_cast %scan3A_123 : i32 to index
          %swap3A_140 = arith.constant 16 : index
          %swap3A_141 = tpu.vector_load %arg7[%swap3A_139, %swap3A_140] {strides = array<i32>} : memref<64x128xf32, #tpu.memory_space<vmem>>, vector<16xf32>,
          tpu.vector_store %arg7[%swap3A_139, %swap3A_140], %get3A_138 {strides = array<i32>} : memref<64x128xf32, #tpu.memory_space<vmem>>, vector<16xf32>,
          %mul3A_142 = arith.constant 4 : i32
          %mul3A_143 = arith.muli %mul3A_142, %scan3A_123 : i32
          %add3A_144 = arith.constant 1 : i32
          %add3A_145 = arith.addi %mul3A_143, %add3A_144 : i32
          %get3A_146 = arith.index_cast %add3A_145 : i32 to index
          %get3A_147 = arith.constant 0 : index
          %get3A_148 = tpu.vector_load %arg5[%get3A_146, %get3A_147] {strides = array<i32>} : memref<256x32xf32, #tpu.memory_space<vmem>>, vector<16xf32>,
          %swap3A_149 = arith.index_cast %scan3A_123 : i32 to index
          %swap3A_150 = arith.constant 32 : index
          %swap3A_151 = tpu.vector_load %arg7[%swap3A_149, %swap3A_150] {strides = array<i32>} : memref<64x128xf32, #tpu.memory_space<vmem>>, vector<16xf32>,
          tpu.vector_store %arg7[%swap3A_149, %swap3A_150], %get3A_148 {strides = array<i32>} : memref<64x128xf32, #tpu.memory_space<vmem>>, vector<16xf32>,
          %mul3A_152 = arith.constant 4 : i32
          %mul3A_153 = arith.muli %mul3A_152, %scan3A_123 : i32
          %add3A_154 = arith.constant 1 : i32
          %add3A_155 = arith.addi %mul3A_153, %add3A_154 : i32
          %get3A_156 = arith.index_cast %add3A_155 : i32 to index
          %get3A_157 = arith.constant 16 : index
          %get3A_158 = tpu.vector_load %arg5[%get3A_156, %get3A_157] {strides = array<i32>} : memref<256x32xf32, #tpu.memory_space<vmem>>, vector<16xf32>,
          %swap3A_159 = arith.index_cast %scan3A_123 : i32 to index
          %swap3A_160 = arith.constant 48 : index
          %swap3A_161 = tpu.vector_load %arg7[%swap3A_159, %swap3A_160] {strides = array<i32>} : memref<64x128xf32, #tpu.memory_space<vmem>>, vector<16xf32>,
          tpu.vector_store %arg7[%swap3A_159, %swap3A_160], %get3A_158 {strides = array<i32>} : memref<64x128xf32, #tpu.memory_space<vmem>>, vector<16xf32>,
          %mul3A_162 = arith.constant 4 : i32
          %mul3A_163 = arith.muli %mul3A_162, %scan3A_123 : i32
          %add3A_164 = arith.constant 2 : i32
          %add3A_165 = arith.addi %mul3A_163, %add3A_164 : i32
          %get3A_166 = arith.index_cast %add3A_165 : i32 to index
          %get3A_167 = arith.constant 0 : index
          %get3A_168 = tpu.vector_load %arg5[%get3A_166, %get3A_167] {strides = array<i32>} : memref<256x32xf32, #tpu.memory_space<vmem>>, vector<16xf32>,
          %swap3A_169 = arith.index_cast %scan3A_123 : i32 to index
          %swap3A_170 = arith.constant 64 : index
          %swap3A_171 = tpu.vector_load %arg7[%swap3A_169, %swap3A_170] {strides = array<i32>} : memref<64x128xf32, #tpu.memory_space<vmem>>, vector<16xf32>,
          tpu.vector_store %arg7[%swap3A_169, %swap3A_170], %get3A_168 {strides = array<i32>} : memref<64x128xf32, #tpu.memory_space<vmem>>, vector<16xf32>,
          %mul3A_172 = arith.constant 4 : i32
          %mul3A_173 = arith.muli %mul3A_172, %scan3A_123 : i32
          %add3A_174 = arith.constant 2 : i32
          %add3A_175 = arith.addi %mul3A_173, %add3A_174 : i32
          %get3A_176 = arith.index_cast %add3A_175 : i32 to index
          %get3A_177 = arith.constant 16 : index
          %get3A_178 = tpu.vector_load %arg5[%get3A_176, %get3A_177] {strides = array<i32>} : memref<256x32xf32, #tpu.memory_space<vmem>>, vector<16xf32>,
          %swap3A_179 = arith.index_cast %scan3A_123 : i32 to index
          %swap3A_180 = arith.constant 80 : index
          %swap3A_181 = tpu.vector_load %arg7[%swap3A_179, %swap3A_180] {strides = array<i32>} : memref<64x128xf32, #tpu.memory_space<vmem>>, vector<16xf32>,
          tpu.vector_store %arg7[%swap3A_179, %swap3A_180], %get3A_178 {strides = array<i32>} : memref<64x128xf32, #tpu.memory_space<vmem>>, vector<16xf32>,
          %mul3A_182 = arith.constant 4 : i32
          %mul3A_183 = arith.muli %mul3A_182, %scan3A_123 : i32
          %add3A_184 = arith.constant 3 : i32
          %add3A_185 = arith.addi %mul3A_183, %add3A_184 : i32
          %get3A_186 = arith.index_cast %add3A_185 : i32 to index
          %get3A_187 = arith.constant 0 : index
          %get3A_188 = tpu.vector_load %arg5[%get3A_186, %get3A_187] {strides = array<i32>} : memref<256x32xf32, #tpu.memory_space<vmem>>, vector<16xf32>,
          %swap3A_189 = arith.index_cast %scan3A_123 : i32 to index
          %swap3A_190 = arith.constant 96 : index
          %swap3A_191 = tpu.vector_load %arg7[%swap3A_189, %swap3A_190] {strides = array<i32>} : memref<64x128xf32, #tpu.memory_space<vmem>>, vector<16xf32>,
          tpu.vector_store %arg7[%swap3A_189, %swap3A_190], %get3A_188 {strides = array<i32>} : memref<64x128xf32, #tpu.memory_space<vmem>>, vector<16xf32>,
          %mul3A_192 = arith.constant 4 : i32
          %mul3A_193 = arith.muli %mul3A_192, %scan3A_123 : i32
          %add3A_194 = arith.constant 3 : i32
          %add3A_195 = arith.addi %mul3A_193, %add3A_194 : i32
          %get3A_196 = arith.index_cast %add3A_195 : i32 to index
          %get3A_197 = arith.constant 16 : index
          %get3A_198 = tpu.vector_load %arg5[%get3A_196, %get3A_197] {strides = array<i32>} : memref<256x32xf32, #tpu.memory_space<vmem>>, vector<16xf32>,
          %swap3A_199 = arith.index_cast %scan3A_123 : i32 to index
          %swap3A_200 = arith.constant 112 : index
          %swap3A_201 = tpu.vector_load %arg7[%swap3A_199, %swap3A_200] {strides = array<i32>} : memref<64x128xf32, #tpu.memory_space<vmem>>, vector<16xf32>,
          tpu.vector_store %arg7[%swap3A_199, %swap3A_200], %get3A_198 {strides = array<i32>} : memref<64x128xf32, #tpu.memory_space<vmem>>, vector<16xf32>,
        }
        %scan3A_107 = arith.constant 64 : i32
        %dma_wait3A_108 = arith.constant 0 : i32
        %dma_wait3A_109 = arith.constant 0 : i32
        %dma_wait3A_110 = tpu.memref_slice %arg3[%dma_wait3A_108, %dma_wait3A_109] : memref<650000x128xf32, #tpu.memory_space<hbm>> -> memref<64x128xf32, #tpu.memory_space<hbm>>
        %dma_wait3A_111 = arith.constant 0 : i32
        %dma_wait3A_112 = arith.constant 0 : i32
        %dma_wait3A_113 = tpu.memref_slice %arg3[%dma_wait3A_111, %dma_wait3A_112] : memref<650000x128xf32, #tpu.memory_space<hbm>> -> memref<64x128xf32, #tpu.memory_space<hbm>>
        tpu.wait_dma2 semaphore(%arg9 : memref<!tpu.dma_semaphore, #tpu.memory_space<semaphore_mem>>) src(%dma_wait3A_113 : memref<64x128xf32, #tpu.memory_space<hbm>>) dst(%arg7 : memref<64x128xf32, #tpu.memory_space<vmem>>)
        %mul3A_114 = arith.constant 32 : i32
        %mul3A_115 = arith.muli %mul3A_114, %add3A_77 : i32
        %add3A_116 = arith.addi %add3A, %mul3A_115 : i32
        %mul3A_117 = arith.constant 64 : i32
        %mul3A_118 = arith.muli %add3A_116, %mul3A_117 : i32
        %dma_start3A_119 = arith.constant 0 : i32
        %dma_start3A_120 = tpu.memref_slice %arg3[%mul3A_118, %dma_start3A_119] : memref<650000x128xf32, #tpu.memory_space<hbm>> -> memref<64x128xf32, #tpu.memory_space<hbm>>
        %dma_start3A_121 = arith.constant 0 : i32
        %dma_start3A_122 = tpu.memref_slice %arg3[%mul3A_118, %dma_start3A_121] : memref<650000x128xf32, #tpu.memory_space<hbm>> -> memref<64x128xf32, #tpu.memory_space<hbm>>
        tpu.enqueue_dma source(%arg7 : memref<64x128xf32, #tpu.memory_space<vmem>>) target(%dma_start3A_122 : memref<64x128xf32, #tpu.memory_space<hbm>>) target_semaphore(%arg9 : memref<!tpu.dma_semaphore, #tpu.memory_space<semaphore_mem>>)
      } else {
      }
    }
    %scan3A_37 = arith.constant 159 : i32
    %dma_wait3A = arith.constant 0 : i32
    %dma_wait3A_38 = arith.constant 0 : i32
    %dma_wait3A_39 = tpu.memref_slice %arg3[%dma_wait3A, %dma_wait3A_38] : memref<650000x128xf32, #tpu.memory_space<hbm>> -> memref<64x128xf32, #tpu.memory_space<hbm>>
    %dma_wait3A_40 = arith.constant 0 : i32
    %dma_wait3A_41 = arith.constant 0 : i32
    %dma_wait3A_42 = tpu.memref_slice %arg3[%dma_wait3A_40, %dma_wait3A_41] : memref<650000x128xf32, #tpu.memory_space<hbm>> -> memref<64x128xf32, #tpu.memory_space<hbm>>
    tpu.wait_dma2 semaphore(%arg9 : memref<!tpu.dma_semaphore, #tpu.memory_space<semaphore_mem>>) src(%dma_wait3A_42 : memref<64x128xf32, #tpu.memory_space<hbm>>) dst(%arg6 : memref<64x128xf32, #tpu.memory_space<vmem>>)
    %dma_wait3A_43 = arith.constant 0 : i32
    %dma_wait3A_44 = arith.constant 0 : i32
    %dma_wait3A_45 = tpu.memref_slice %arg3[%dma_wait3A_43, %dma_wait3A_44] : memref<650000x128xf32, #tpu.memory_space<hbm>> -> memref<64x128xf32, #tpu.memory_space<hbm>>
    %dma_wait3A_46 = arith.constant 0 : i32
    %dma_wait3A_47 = arith.constant 0 : i32
    %dma_wait3A_48 = tpu.memref_slice %arg3[%dma_wait3A_46, %dma_wait3A_47] : memref<650000x128xf32, #tpu.memory_space<hbm>> -> memref<64x128xf32, #tpu.memory_space<hbm>>
    tpu.wait_dma2 semaphore(%arg9 : memref<!tpu.dma_semaphore, #tpu.memory_space<semaphore_mem>>) src(%dma_wait3A_48 : memref<64x128xf32, #tpu.memory_space<hbm>>) dst(%arg7 : memref<64x128xf32, #tpu.memory_space<vmem>>)
    %eq3A = arith.constant 12 : i32
    %eq3A_49 = arith.cmpi eq, %add3A, %eq3A : i32
    %convert_element_type3A_50 = arith.extui %eq3A_49 : i1 to i32
    %cond3A_51 = arith.constant 0 : i32
    %cond3A_52 = arith.cmpi ne, %convert_element_type3A_50, %cond3A_51 : i32
    scf.if %cond3A_52 {
      "tpu.region"() ({
        %run_scoped3A = tpu.sem_alloc : memref<!tpu.dma_semaphore, #tpu.memory_space<semaphore_mem>>
        %dma_start3A_59 = arith.constant 0 : i32
        %dma_start3A_60 = arith.constant 0 : i32
        %dma_start3A_61 = tpu.memref_slice %arg4[%dma_start3A_59, %dma_start3A_60] : memref<256x32xf32, #tpu.memory_space<vmem>> -> memref<64x32xf32, #tpu.memory_space<vmem>>
        %dma_start3A_62 = arith.constant 2599936 : i32
        %dma_start3A_63 = arith.constant 0 : i32
        %dma_start3A_64 = tpu.memref_slice %arg2[%dma_start3A_62, %dma_start3A_63] : memref<2600000x32xf32, #tpu.memory_space<hbm>> -> memref<64x32xf32, #tpu.memory_space<hbm>>
        %dma_start3A_65 = arith.constant 0 : i32
        %dma_start3A_66 = arith.constant 0 : i32
        %dma_start3A_67 = tpu.memref_slice %arg4[%dma_start3A_65, %dma_start3A_66] : memref<256x32xf32, #tpu.memory_space<vmem>> -> memref<64x32xf32, #tpu.memory_space<vmem>>
        %dma_start3A_68 = arith.constant 2599936 : i32
        %dma_start3A_69 = arith.constant 0 : i32
        %dma_start3A_70 = tpu.memref_slice %arg2[%dma_start3A_68, %dma_start3A_69] : memref<2600000x32xf32, #tpu.memory_space<hbm>> -> memref<64x32xf32, #tpu.memory_space<hbm>>
        tpu.enqueue_dma source(%dma_start3A_70 : memref<64x32xf32, #tpu.memory_space<hbm>>) target(%dma_start3A_67 : memref<64x32xf32, #tpu.memory_space<vmem>>) target_semaphore(%run_scoped3A : memref<!tpu.dma_semaphore, #tpu.memory_space<semaphore_mem>>)
        %dma_wait3A_71 = arith.constant 0 : i32
        %dma_wait3A_72 = arith.constant 0 : i32
        %dma_wait3A_73 = tpu.memref_slice %arg4[%dma_wait3A_71, %dma_wait3A_72] : memref<256x32xf32, #tpu.memory_space<vmem>> -> memref<64x32xf32, #tpu.memory_space<vmem>>
        %dma_wait3A_74 = arith.constant 2599936 : i32
        %dma_wait3A_75 = arith.constant 0 : i32
        %dma_wait3A_76 = tpu.memref_slice %arg2[%dma_wait3A_74, %dma_wait3A_75] : memref<2600000x32xf32, #tpu.memory_space<hbm>> -> memref<64x32xf32, #tpu.memory_space<hbm>>
        %dma_wait3A_77 = arith.constant 0 : i32
        %dma_wait3A_78 = arith.constant 0 : i32
        %dma_wait3A_79 = tpu.memref_slice %arg4[%dma_wait3A_77, %dma_wait3A_78] : memref<256x32xf32, #tpu.memory_space<vmem>> -> memref<64x32xf32, #tpu.memory_space<vmem>>
        %dma_wait3A_80 = arith.constant 2599936 : i32
        %dma_wait3A_81 = arith.constant 0 : i32
        %dma_wait3A_82 = tpu.memref_slice %arg2[%dma_wait3A_80, %dma_wait3A_81] : memref<2600000x32xf32, #tpu.memory_space<hbm>> -> memref<64x32xf32, #tpu.memory_space<hbm>>
        tpu.wait_dma2 semaphore(%run_scoped3A : memref<!tpu.dma_semaphore, #tpu.memory_space<semaphore_mem>>) src(%dma_wait3A_82 : memref<64x32xf32, #tpu.memory_space<hbm>>) dst(%dma_wait3A_79 : memref<64x32xf32, #tpu.memory_space<vmem>>)
        tpu.yield
      }) : () -> ()
      %scan3A_53 = arith.constant 0 : i32
      %scan3A_54 = arith.constant 0 : i32
      %scan3A_55 = arith.constant 16 : i32
      %scan3A_56 = arith.addi %scan3A_54, %scan3A_55 : i32
      %scan3A_57 = arith.constant 1 : i32
      scf.for %scan3A_59 = %scan3A_54 to %scan3A_56 step %scan3A_57  : i32 {
        %mul3A_60 = arith.constant 4 : i32
        %mul3A_61 = arith.muli %mul3A_60, %scan3A_59 : i32
        %add3A_62 = arith.constant 0 : i32
        %add3A_63 = arith.addi %mul3A_61, %add3A_62 : i32
        %get3A = arith.index_cast %add3A_63 : i32 to index
        %get3A_64 = arith.constant 0 : index
        %get3A_65 = tpu.vector_load %arg4[%get3A, %get3A_64] {strides = array<i32>} : memref<256x32xf32, #tpu.memory_space<vmem>>, vector<16xf32>,
        %swap3A = arith.index_cast %scan3A_59 : i32 to index
        %swap3A_66 = arith.constant 0 : index
        %swap3A_67 = tpu.vector_load %arg6[%swap3A, %swap3A_66] {strides = array<i32>} : memref<64x128xf32, #tpu.memory_space<vmem>>, vector<16xf32>,
        tpu.vector_store %arg6[%swap3A, %swap3A_66], %get3A_65 {strides = array<i32>} : memref<64x128xf32, #tpu.memory_space<vmem>>, vector<16xf32>,
        %mul3A_68 = arith.constant 4 : i32
        %mul3A_69 = arith.muli %mul3A_68, %scan3A_59 : i32
        %add3A_70 = arith.constant 0 : i32
        %add3A_71 = arith.addi %mul3A_69, %add3A_70 : i32
        %get3A_72 = arith.index_cast %add3A_71 : i32 to index
        %get3A_73 = arith.constant 16 : index
        %get3A_74 = tpu.vector_load %arg4[%get3A_72, %get3A_73] {strides = array<i32>} : memref<256x32xf32, #tpu.memory_space<vmem>>, vector<16xf32>,
        %swap3A_75 = arith.index_cast %scan3A_59 : i32 to index
        %swap3A_76 = arith.constant 16 : index
        %swap3A_77 = tpu.vector_load %arg6[%swap3A_75, %swap3A_76] {strides = array<i32>} : memref<64x128xf32, #tpu.memory_space<vmem>>, vector<16xf32>,
        tpu.vector_store %arg6[%swap3A_75, %swap3A_76], %get3A_74 {strides = array<i32>} : memref<64x128xf32, #tpu.memory_space<vmem>>, vector<16xf32>,
        %mul3A_78 = arith.constant 4 : i32
        %mul3A_79 = arith.muli %mul3A_78, %scan3A_59 : i32
        %add3A_80 = arith.constant 1 : i32
        %add3A_81 = arith.addi %mul3A_79, %add3A_80 : i32
        %get3A_82 = arith.index_cast %add3A_81 : i32 to index
        %get3A_83 = arith.constant 0 : index
        %get3A_84 = tpu.vector_load %arg4[%get3A_82, %get3A_83] {strides = array<i32>} : memref<256x32xf32, #tpu.memory_space<vmem>>, vector<16xf32>,
        %swap3A_85 = arith.index_cast %scan3A_59 : i32 to index
        %swap3A_86 = arith.constant 32 : index
        %swap3A_87 = tpu.vector_load %arg6[%swap3A_85, %swap3A_86] {strides = array<i32>} : memref<64x128xf32, #tpu.memory_space<vmem>>, vector<16xf32>,
        tpu.vector_store %arg6[%swap3A_85, %swap3A_86], %get3A_84 {strides = array<i32>} : memref<64x128xf32, #tpu.memory_space<vmem>>, vector<16xf32>,
        %mul3A_88 = arith.constant 4 : i32
        %mul3A_89 = arith.muli %mul3A_88, %scan3A_59 : i32
        %add3A_90 = arith.constant 1 : i32
        %add3A_91 = arith.addi %mul3A_89, %add3A_90 : i32
        %get3A_92 = arith.index_cast %add3A_91 : i32 to index
        %get3A_93 = arith.constant 16 : index
        %get3A_94 = tpu.vector_load %arg4[%get3A_92, %get3A_93] {strides = array<i32>} : memref<256x32xf32, #tpu.memory_space<vmem>>, vector<16xf32>,
        %swap3A_95 = arith.index_cast %scan3A_59 : i32 to index
        %swap3A_96 = arith.constant 48 : index
        %swap3A_97 = tpu.vector_load %arg6[%swap3A_95, %swap3A_96] {strides = array<i32>} : memref<64x128xf32, #tpu.memory_space<vmem>>, vector<16xf32>,
        tpu.vector_store %arg6[%swap3A_95, %swap3A_96], %get3A_94 {strides = array<i32>} : memref<64x128xf32, #tpu.memory_space<vmem>>, vector<16xf32>,
        %mul3A_98 = arith.constant 4 : i32
        %mul3A_99 = arith.muli %mul3A_98, %scan3A_59 : i32
        %add3A_100 = arith.constant 2 : i32
        %add3A_101 = arith.addi %mul3A_99, %add3A_100 : i32
        %get3A_102 = arith.index_cast %add3A_101 : i32 to index
        %get3A_103 = arith.constant 0 : index
        %get3A_104 = tpu.vector_load %arg4[%get3A_102, %get3A_103] {strides = array<i32>} : memref<256x32xf32, #tpu.memory_space<vmem>>, vector<16xf32>,
        %swap3A_105 = arith.index_cast %scan3A_59 : i32 to index
        %swap3A_106 = arith.constant 64 : index
        %swap3A_107 = tpu.vector_load %arg6[%swap3A_105, %swap3A_106] {strides = array<i32>} : memref<64x128xf32, #tpu.memory_space<vmem>>, vector<16xf32>,
        tpu.vector_store %arg6[%swap3A_105, %swap3A_106], %get3A_104 {strides = array<i32>} : memref<64x128xf32, #tpu.memory_space<vmem>>, vector<16xf32>,
        %mul3A_108 = arith.constant 4 : i32
        %mul3A_109 = arith.muli %mul3A_108, %scan3A_59 : i32
        %add3A_110 = arith.constant 2 : i32
        %add3A_111 = arith.addi %mul3A_109, %add3A_110 : i32
        %get3A_112 = arith.index_cast %add3A_111 : i32 to index
        %get3A_113 = arith.constant 16 : index
        %get3A_114 = tpu.vector_load %arg4[%get3A_112, %get3A_113] {strides = array<i32>} : memref<256x32xf32, #tpu.memory_space<vmem>>, vector<16xf32>,
        %swap3A_115 = arith.index_cast %scan3A_59 : i32 to index
        %swap3A_116 = arith.constant 80 : index
        %swap3A_117 = tpu.vector_load %arg6[%swap3A_115, %swap3A_116] {strides = array<i32>} : memref<64x128xf32, #tpu.memory_space<vmem>>, vector<16xf32>,
        tpu.vector_store %arg6[%swap3A_115, %swap3A_116], %get3A_114 {strides = array<i32>} : memref<64x128xf32, #tpu.memory_space<vmem>>, vector<16xf32>,
        %mul3A_118 = arith.constant 4 : i32
        %mul3A_119 = arith.muli %mul3A_118, %scan3A_59 : i32
        %add3A_120 = arith.constant 3 : i32
        %add3A_121 = arith.addi %mul3A_119, %add3A_120 : i32
        %get3A_122 = arith.index_cast %add3A_121 : i32 to index
        %get3A_123 = arith.constant 0 : index
        %get3A_124 = tpu.vector_load %arg4[%get3A_122, %get3A_123] {strides = array<i32>} : memref<256x32xf32, #tpu.memory_space<vmem>>, vector<16xf32>,
        %swap3A_125 = arith.index_cast %scan3A_59 : i32 to index
        %swap3A_126 = arith.constant 96 : index
        %swap3A_127 = tpu.vector_load %arg6[%swap3A_125, %swap3A_126] {strides = array<i32>} : memref<64x128xf32, #tpu.memory_space<vmem>>, vector<16xf32>,
        tpu.vector_store %arg6[%swap3A_125, %swap3A_126], %get3A_124 {strides = array<i32>} : memref<64x128xf32, #tpu.memory_space<vmem>>, vector<16xf32>,
        %mul3A_128 = arith.constant 4 : i32
        %mul3A_129 = arith.muli %mul3A_128, %scan3A_59 : i32
        %add3A_130 = arith.constant 3 : i32
        %add3A_131 = arith.addi %mul3A_129, %add3A_130 : i32
        %get3A_132 = arith.index_cast %add3A_131 : i32 to index
        %get3A_133 = arith.constant 16 : index
        %get3A_134 = tpu.vector_load %arg4[%get3A_132, %get3A_133] {strides = array<i32>} : memref<256x32xf32, #tpu.memory_space<vmem>>, vector<16xf32>,
        %swap3A_135 = arith.index_cast %scan3A_59 : i32 to index
        %swap3A_136 = arith.constant 112 : index
        %swap3A_137 = tpu.vector_load %arg6[%swap3A_135, %swap3A_136] {strides = array<i32>} : memref<64x128xf32, #tpu.memory_space<vmem>>, vector<16xf32>,
        tpu.vector_store %arg6[%swap3A_135, %swap3A_136], %get3A_134 {strides = array<i32>} : memref<64x128xf32, #tpu.memory_space<vmem>>, vector<16xf32>,
      }
      %scan3A_58 = arith.constant 16 : i32
      "tpu.region"() ({
        %run_scoped3A = tpu.sem_alloc : memref<!tpu.dma_semaphore, #tpu.memory_space<semaphore_mem>>
        %dma_start3A_59 = arith.constant 0 : i32
        %dma_start3A_60 = arith.constant 0 : i32
        %dma_start3A_61 = tpu.memref_slice %arg6[%dma_start3A_59, %dma_start3A_60] : memref<64x128xf32, #tpu.memory_space<vmem>> -> memref<16x128xf32, #tpu.memory_space<vmem>>
        %dma_start3A_62 = arith.constant 649984 : i32
        %dma_start3A_63 = arith.constant 0 : i32
        %dma_start3A_64 = tpu.memref_slice %arg3[%dma_start3A_62, %dma_start3A_63] : memref<650000x128xf32, #tpu.memory_space<hbm>> -> memref<16x128xf32, #tpu.memory_space<hbm>>
        %dma_start3A_65 = arith.constant 649984 : i32
        %dma_start3A_66 = arith.constant 0 : i32
        %dma_start3A_67 = tpu.memref_slice %arg3[%dma_start3A_65, %dma_start3A_66] : memref<650000x128xf32, #tpu.memory_space<hbm>> -> memref<16x128xf32, #tpu.memory_space<hbm>>
        %dma_start3A_68 = arith.constant 0 : i32
        %dma_start3A_69 = arith.constant 0 : i32
        %dma_start3A_70 = tpu.memref_slice %arg6[%dma_start3A_68, %dma_start3A_69] : memref<64x128xf32, #tpu.memory_space<vmem>> -> memref<16x128xf32, #tpu.memory_space<vmem>>
        tpu.enqueue_dma source(%dma_start3A_70 : memref<16x128xf32, #tpu.memory_space<vmem>>) target(%dma_start3A_67 : memref<16x128xf32, #tpu.memory_space<hbm>>) target_semaphore(%run_scoped3A : memref<!tpu.dma_semaphore, #tpu.memory_space<semaphore_mem>>)
        %dma_wait3A_71 = arith.constant 0 : i32
        %dma_wait3A_72 = arith.constant 0 : i32
        %dma_wait3A_73 = tpu.memref_slice %arg6[%dma_wait3A_71, %dma_wait3A_72] : memref<64x128xf32, #tpu.memory_space<vmem>> -> memref<16x128xf32, #tpu.memory_space<vmem>>
        %dma_wait3A_74 = arith.constant 649984 : i32
        %dma_wait3A_75 = arith.constant 0 : i32
        %dma_wait3A_76 = tpu.memref_slice %arg3[%dma_wait3A_74, %dma_wait3A_75] : memref<650000x128xf32, #tpu.memory_space<hbm>> -> memref<16x128xf32, #tpu.memory_space<hbm>>
        %dma_wait3A_77 = arith.constant 649984 : i32
        %dma_wait3A_78 = arith.constant 0 : i32
        %dma_wait3A_79 = tpu.memref_slice %arg3[%dma_wait3A_77, %dma_wait3A_78] : memref<650000x128xf32, #tpu.memory_space<hbm>> -> memref<16x128xf32, #tpu.memory_space<hbm>>
        %dma_wait3A_80 = arith.constant 0 : i32
        %dma_wait3A_81 = arith.constant 0 : i32
        %dma_wait3A_82 = tpu.memref_slice %arg6[%dma_wait3A_80, %dma_wait3A_81] : memref<64x128xf32, #tpu.memory_space<vmem>> -> memref<16x128xf32, #tpu.memory_space<vmem>>
        tpu.wait_dma2 semaphore(%run_scoped3A : memref<!tpu.dma_semaphore, #tpu.memory_space<semaphore_mem>>) src(%dma_wait3A_82 : memref<16x128xf32, #tpu.memory_space<vmem>>) dst(%dma_wait3A_79 : memref<16x128xf32, #tpu.memory_space<hbm>>)
        tpu.yield
      }) : () -> ()
    } else {
    }
    return
  }
}

module attributes {stable_mosaic.version = 14 : i64} {
  func.func @_dense_body(%arg0: i32, %arg1: memref<256x13xf32, #tpu.memory_space<vmem>>, %arg2: memref<256x26x128xf32, #tpu.memory_space<vmem>>, %arg3: memref<256x26xi32, #tpu.memory_space<vmem>>, %arg4: memref<13x512xf32, #tpu.memory_space<vmem>>, %arg5: memref<1x512xf32, #tpu.memory_space<vmem>>, %arg6: memref<512x256xf32, #tpu.memory_space<vmem>>, %arg7: memref<1x256xf32, #tpu.memory_space<vmem>>, %arg8: memref<256x32xf32, #tpu.memory_space<vmem>>, %arg9: memref<1x32xf32, #tpu.memory_space<vmem>>, %arg10: memref<410x1024xf32, #tpu.memory_space<vmem>>, %arg11: memref<1x1024xf32, #tpu.memory_space<vmem>>, %arg12: memref<1024x1024xf32, #tpu.memory_space<vmem>>, %arg13: memref<1x1024xf32, #tpu.memory_space<vmem>>, %arg14: memref<1024x512xf32, #tpu.memory_space<vmem>>, %arg15: memref<1x512xf32, #tpu.memory_space<vmem>>, %arg16: memref<512x256xf32, #tpu.memory_space<vmem>>, %arg17: memref<1x256xf32, #tpu.memory_space<vmem>>, %arg18: memref<256x1xf32, #tpu.memory_space<vmem>>, %arg19: memref<1x1xf32, #tpu.memory_space<vmem>>, %arg20: memref<256x1xf32, #tpu.memory_space<vmem>>, %arg21: memref<256x410xf32, #tpu.memory_space<vmem>>) attributes {dimension_semantics = [#tpu.dimension_semantics<arbitrary>], iteration_bounds = array<i64: 16>, scalar_prefetch = 0 : i64, scratch_operands = 1 : i64, tpu.core_type = #tpu.core_type<tc>, window_params = [{transform_indices = @transform_0, window_bounds = array<i64: 256, 13>}, {transform_indices = @transform_1, window_bounds = array<i64: 256, 26, 128>}, {transform_indices = @transform_2, window_bounds = array<i64: 256, 26>}, {pipeline_mode = #tpu.pipeline_mode<synchronous>, transform_indices = @transform_3, window_bounds = array<i64: 13, 512>}, {pipeline_mode = #tpu.pipeline_mode<synchronous>, transform_indices = @transform_4, window_bounds = array<i64: 1, 512>}, {pipeline_mode = #tpu.pipeline_mode<synchronous>, transform_indices = @transform_5, window_bounds = array<i64: 512, 256>}, {pipeline_mode = #tpu.pipeline_mode<synchronous>, transform_indices = @transform_6, window_bounds = array<i64: 1, 256>}, {pipeline_mode = #tpu.pipeline_mode<synchronous>, transform_indices = @transform_7, window_bounds = array<i64: 256, 32>}, {pipeline_mode = #tpu.pipeline_mode<synchronous>, transform_indices = @transform_8, window_bounds = array<i64: 1, 32>}, {pipeline_mode = #tpu.pipeline_mode<synchronous>, transform_indices = @transform_9, window_bounds = array<i64: 410, 1024>}, {pipeline_mode = #tpu.pipeline_mode<synchronous>, transform_indices = @transform_10, window_bounds = array<i64: 1, 1024>}, {pipeline_mode = #tpu.pipeline_mode<synchronous>, transform_indices = @transform_11, window_bounds = array<i64: 1024, 1024>}, {pipeline_mode = #tpu.pipeline_mode<synchronous>, transform_indices = @transform_12, window_bounds = array<i64: 1, 1024>}, {pipeline_mode = #tpu.pipeline_mode<synchronous>, transform_indices = @transform_13, window_bounds = array<i64: 1024, 512>}, {pipeline_mode = #tpu.pipeline_mode<synchronous>, transform_indices = @transform_14, window_bounds = array<i64: 1, 512>}, {pipeline_mode = #tpu.pipeline_mode<synchronous>, transform_indices = @transform_15, window_bounds = array<i64: 512, 256>}, {pipeline_mode = #tpu.pipeline_mode<synchronous>, transform_indices = @transform_16, window_bounds = array<i64: 1, 256>}, {pipeline_mode = #tpu.pipeline_mode<synchronous>, transform_indices = @transform_17, window_bounds = array<i64: 256, 1>}, {pipeline_mode = #tpu.pipeline_mode<synchronous>, transform_indices = @transform_18, window_bounds = array<i64: 1, 1>}, {transform_indices = @transform_19, window_bounds = array<i64: 256, 1>}]} {
    %get3A = arith.constant 0 : index
    %get3A_0 = arith.constant 0 : index
    %get3A_1 = vector.load %arg1[%get3A, %get3A_0] : memref<256x13xf32, #tpu.memory_space<vmem>>, vector<256x13xf32>
    %get3A_2 = arith.constant 0 : index
    %get3A_3 = arith.constant 0 : index
    %get3A_4 = vector.load %arg4[%get3A_2, %get3A_3] : memref<13x512xf32, #tpu.memory_space<vmem>>, vector<13x512xf32>
    %dot_general3A = arith.constant dense<0.000000e+00> : vector<256x512xf32>
    %dot_general3A_5 = tpu.matmul %get3A_1, %get3A_4, %dot_general3A {dimension_numbers = #tpu.dot_dimension_numbers<[1], [0], [0], [1], [0, 0, 1, 1], [], []>, transpose_lhs_hint = false} : vector<256x13xf32>, vector<13x512xf32>, vector<256x512xf32> -> vector<256x512xf32>
    %get3A_6 = arith.constant 0 : index
    %get3A_7 = arith.constant 0 : index
    %get3A_8 = vector.load %arg5[%get3A_6, %get3A_7] : memref<1x512xf32, #tpu.memory_space<vmem>>, vector<1x512xf32>
    %add3A = vector.broadcast %get3A_8 : vector<1x512xf32> to vector<256x512xf32>
    %add3A_9 = arith.addf %dot_general3A_5, %add3A : vector<256x512xf32>
    %max3A = arith.constant 0.000000e+00 : f32
    %max3A_10 = vector.broadcast %max3A : f32 to vector<256x512xf32>
    %max3A_11 = arith.maximumf %add3A_9, %max3A_10 : vector<256x512xf32>
    %get3A_12 = arith.constant 0 : index
    %get3A_13 = arith.constant 0 : index
    %get3A_14 = vector.load %arg6[%get3A_12, %get3A_13] : memref<512x256xf32, #tpu.memory_space<vmem>>, vector<512x256xf32>
    %dot_general3A_15 = arith.constant dense<0.000000e+00> : vector<256x256xf32>
    %dot_general3A_16 = tpu.matmul %max3A_11, %get3A_14, %dot_general3A_15 {dimension_numbers = #tpu.dot_dimension_numbers<[1], [0], [0], [1], [0, 0, 1, 1], [], []>, transpose_lhs_hint = false} : vector<256x512xf32>, vector<512x256xf32>, vector<256x256xf32> -> vector<256x256xf32>
    %get3A_17 = arith.constant 0 : index
    %get3A_18 = arith.constant 0 : index
    %get3A_19 = vector.load %arg7[%get3A_17, %get3A_18] : memref<1x256xf32, #tpu.memory_space<vmem>>, vector<1x256xf32>
    %add3A_20 = vector.broadcast %get3A_19 : vector<1x256xf32> to vector<256x256xf32>
    %add3A_21 = arith.addf %dot_general3A_16, %add3A_20 : vector<256x256xf32>
    %max3A_22 = arith.constant 0.000000e+00 : f32
    %max3A_23 = vector.broadcast %max3A_22 : f32 to vector<256x256xf32>
    %max3A_24 = arith.maximumf %add3A_21, %max3A_23 : vector<256x256xf32>
    %get3A_25 = arith.constant 0 : index
    %get3A_26 = arith.constant 0 : index
    %get3A_27 = vector.load %arg8[%get3A_25, %get3A_26] : memref<256x32xf32, #tpu.memory_space<vmem>>, vector<256x32xf32>
    %dot_general3A_28 = arith.constant dense<0.000000e+00> : vector<256x32xf32>
    %dot_general3A_29 = tpu.matmul %max3A_24, %get3A_27, %dot_general3A_28 {dimension_numbers = #tpu.dot_dimension_numbers<[1], [0], [0], [1], [0, 0, 1, 1], [], []>, transpose_lhs_hint = false} : vector<256x256xf32>, vector<256x32xf32>, vector<256x32xf32> -> vector<256x32xf32>
    %get3A_30 = arith.constant 0 : index
    %get3A_31 = arith.constant 0 : index
    %get3A_32 = vector.load %arg9[%get3A_30, %get3A_31] : memref<1x32xf32, #tpu.memory_space<vmem>>, vector<1x32xf32>
    %add3A_33 = vector.broadcast %get3A_32 : vector<1x32xf32> to vector<256x32xf32>
    %add3A_34 = arith.addf %dot_general3A_29, %add3A_33 : vector<256x32xf32>
    %max3A_35 = arith.constant 0.000000e+00 : f32
    %max3A_36 = vector.broadcast %max3A_35 : f32 to vector<256x32xf32>
    %max3A_37 = arith.maximumf %add3A_34, %max3A_36 : vector<256x32xf32>
    %get3A_38 = arith.constant 0 : index
    %get3A_39 = arith.constant 0 : index
    %get3A_40 = vector.load %arg3[%get3A_38, %get3A_39] : memref<256x26xi32, #tpu.memory_space<vmem>>, vector<256x26xi32>
    %broadcast_in_dim3A = vector.shape_cast %get3A_40 : vector<256x26xi32> to vector<256x26x1xi32>
    %eq3A = arith.constant 0 : i32
    %eq3A_41 = vector.broadcast %eq3A : i32 to vector<256x26x1xi32>
    %eq3A_42 = arith.cmpi eq, %broadcast_in_dim3A, %eq3A_41 : vector<256x26x1xi32>
    %get3A_43 = arith.constant 0 : index
    %get3A_44 = arith.constant 0 : index
    %get3A_45 = arith.constant 0 : index
    %get3A_46 = vector.load %arg2[%get3A_43, %get3A_44, %get3A_45] : memref<256x26x128xf32, #tpu.memory_space<vmem>>, vector<256x26x32xf32>
    %jit3A = arith.constant 0.000000e+00 : f32
    %broadcast_in_dim3A_47 = vector.shape_cast %eq3A_42 : vector<256x26x1xi1> to vector<256x26x1xi1>
    %broadcast_in_dim3A_48 = vector.broadcast %broadcast_in_dim3A_47 : vector<256x26x1xi1> to vector<256x26x32xi1>
    %broadcast_in_dim3A_49 = vector.broadcast %jit3A : f32 to vector<256x26x32xf32>
    %select_n3A = arith.select %broadcast_in_dim3A_48, %get3A_46, %broadcast_in_dim3A_49 : vector<256x26x32xi1>, vector<256x26x32xf32>
    %eq3A_50 = arith.constant 1 : i32
    %eq3A_51 = vector.broadcast %eq3A_50 : i32 to vector<256x26x1xi32>
    %eq3A_52 = arith.cmpi eq, %broadcast_in_dim3A, %eq3A_51 : vector<256x26x1xi32>
    %get3A_53 = arith.constant 0 : index
    %get3A_54 = arith.constant 0 : index
    %get3A_55 = arith.constant 32 : index
    %get3A_56 = vector.load %arg2[%get3A_53, %get3A_54, %get3A_55] : memref<256x26x128xf32, #tpu.memory_space<vmem>>, vector<256x26x32xf32>
    %jit3A_57 = arith.constant 0.000000e+00 : f32
    %broadcast_in_dim3A_58 = vector.shape_cast %eq3A_52 : vector<256x26x1xi1> to vector<256x26x1xi1>
    %broadcast_in_dim3A_59 = vector.broadcast %broadcast_in_dim3A_58 : vector<256x26x1xi1> to vector<256x26x32xi1>
    %broadcast_in_dim3A_60 = vector.broadcast %jit3A_57 : f32 to vector<256x26x32xf32>
    %select_n3A_61 = arith.select %broadcast_in_dim3A_59, %get3A_56, %broadcast_in_dim3A_60 : vector<256x26x32xi1>, vector<256x26x32xf32>
    %add3A_62 = arith.addf %select_n3A, %select_n3A_61 : vector<256x26x32xf32>
    %eq3A_63 = arith.constant 2 : i32
    %eq3A_64 = vector.broadcast %eq3A_63 : i32 to vector<256x26x1xi32>
    %eq3A_65 = arith.cmpi eq, %broadcast_in_dim3A, %eq3A_64 : vector<256x26x1xi32>
    %get3A_66 = arith.constant 0 : index
    %get3A_67 = arith.constant 0 : index
    %get3A_68 = arith.constant 64 : index
    %get3A_69 = vector.load %arg2[%get3A_66, %get3A_67, %get3A_68] : memref<256x26x128xf32, #tpu.memory_space<vmem>>, vector<256x26x32xf32>
    %jit3A_70 = arith.constant 0.000000e+00 : f32
    %broadcast_in_dim3A_71 = vector.shape_cast %eq3A_65 : vector<256x26x1xi1> to vector<256x26x1xi1>
    %broadcast_in_dim3A_72 = vector.broadcast %broadcast_in_dim3A_71 : vector<256x26x1xi1> to vector<256x26x32xi1>
    %broadcast_in_dim3A_73 = vector.broadcast %jit3A_70 : f32 to vector<256x26x32xf32>
    %select_n3A_74 = arith.select %broadcast_in_dim3A_72, %get3A_69, %broadcast_in_dim3A_73 : vector<256x26x32xi1>, vector<256x26x32xf32>
    %add3A_75 = arith.addf %add3A_62, %select_n3A_74 : vector<256x26x32xf32>
    %eq3A_76 = arith.constant 3 : i32
    %eq3A_77 = vector.broadcast %eq3A_76 : i32 to vector<256x26x1xi32>
    %eq3A_78 = arith.cmpi eq, %broadcast_in_dim3A, %eq3A_77 : vector<256x26x1xi32>
    %get3A_79 = arith.constant 0 : index
    %get3A_80 = arith.constant 0 : index
    %get3A_81 = arith.constant 96 : index
    %get3A_82 = vector.load %arg2[%get3A_79, %get3A_80, %get3A_81] : memref<256x26x128xf32, #tpu.memory_space<vmem>>, vector<256x26x32xf32>
    %jit3A_83 = arith.constant 0.000000e+00 : f32
    %broadcast_in_dim3A_84 = vector.shape_cast %eq3A_78 : vector<256x26x1xi1> to vector<256x26x1xi1>
    %broadcast_in_dim3A_85 = vector.broadcast %broadcast_in_dim3A_84 : vector<256x26x1xi1> to vector<256x26x32xi1>
    %broadcast_in_dim3A_86 = vector.broadcast %jit3A_83 : f32 to vector<256x26x32xf32>
    %select_n3A_87 = arith.select %broadcast_in_dim3A_85, %get3A_82, %broadcast_in_dim3A_86 : vector<256x26x32xi1>, vector<256x26x32xf32>
    %add3A_88 = arith.addf %add3A_75, %select_n3A_87 : vector<256x26x32xf32>
    %reshape3A = vector.shape_cast %max3A_37 : vector<256x32xf32> to vector<256x1x32xf32>
    %concatenate3A = tpu.concatenate %reshape3A, %add3A_88 in 1 : vector<256x1x32xf32>, vector<256x26x32xf32> -> vector<256x27x32xf32>
    %dot_general3A_89 = arith.constant dense<0.000000e+00> : vector<256x27x27xf32>
    %dot_general3A_90 = tpu.matmul %concatenate3A, %concatenate3A, %dot_general3A_89 {dimension_numbers = #tpu.dot_dimension_numbers<[2], [2], [1], [1], [0, 0, 0, 1, 1, 1], [0], [0]>, transpose_lhs_hint = false} : vector<256x27x32xf32>, vector<256x27x32xf32>, vector<256x27x27xf32> -> vector<256x27x27xf32>
    %swap3A = arith.constant 0 : index
    %swap3A_91 = arith.constant 0 : index
    %swap3A_92 = vector.load %arg21[%swap3A, %swap3A_91] : memref<256x410xf32, #tpu.memory_space<vmem>>, vector<256x32xf32>
    tpu.vector_store %arg21[%swap3A, %swap3A_91], %max3A_37 {strides = array<i32>} : memref<256x410xf32, #tpu.memory_space<vmem>>, vector<256x32xf32>,
    %slice3A = vector.extract_strided_slice %dot_general3A_90 {offsets = [0, 0, 0], sizes = [256, 1, 27], strides = [1, 1, 1]} : vector<256x27x27xf32> to vector<256x1x27xf32>
    %squeeze3A = vector.shape_cast %slice3A : vector<256x1x27xf32> to vector<256x27xf32>
    %swap3A_93 = arith.constant 0 : index
    %swap3A_94 = arith.constant 32 : index
    %swap3A_95 = vector.load %arg21[%swap3A_93, %swap3A_94] : memref<256x410xf32, #tpu.memory_space<vmem>>, vector<256x27xf32>
    tpu.vector_store %arg21[%swap3A_93, %swap3A_94], %squeeze3A {strides = array<i32>} : memref<256x410xf32, #tpu.memory_space<vmem>>, vector<256x27xf32>,
    %slice3A_96 = vector.extract_strided_slice %dot_general3A_90 {offsets = [0, 1, 1], sizes = [256, 1, 26], strides = [1, 1, 1]} : vector<256x27x27xf32> to vector<256x1x26xf32>
    %squeeze3A_97 = vector.shape_cast %slice3A_96 : vector<256x1x26xf32> to vector<256x26xf32>
    %swap3A_98 = arith.constant 0 : index
    %swap3A_99 = arith.constant 59 : index
    %swap3A_100 = vector.load %arg21[%swap3A_98, %swap3A_99] : memref<256x410xf32, #tpu.memory_space<vmem>>, vector<256x26xf32>
    tpu.vector_store %arg21[%swap3A_98, %swap3A_99], %squeeze3A_97 {strides = array<i32>} : memref<256x410xf32, #tpu.memory_space<vmem>>, vector<256x26xf32>,
    %slice3A_101 = vector.extract_strided_slice %dot_general3A_90 {offsets = [0, 2, 2], sizes = [256, 1, 25], strides = [1, 1, 1]} : vector<256x27x27xf32> to vector<256x1x25xf32>
    %squeeze3A_102 = vector.shape_cast %slice3A_101 : vector<256x1x25xf32> to vector<256x25xf32>
    %swap3A_103 = arith.constant 0 : index
    %swap3A_104 = arith.constant 85 : index
    %swap3A_105 = vector.load %arg21[%swap3A_103, %swap3A_104] : memref<256x410xf32, #tpu.memory_space<vmem>>, vector<256x25xf32>
    tpu.vector_store %arg21[%swap3A_103, %swap3A_104], %squeeze3A_102 {strides = array<i32>} : memref<256x410xf32, #tpu.memory_space<vmem>>, vector<256x25xf32>,
    %slice3A_106 = vector.extract_strided_slice %dot_general3A_90 {offsets = [0, 3, 3], sizes = [256, 1, 24], strides = [1, 1, 1]} : vector<256x27x27xf32> to vector<256x1x24xf32>
    %squeeze3A_107 = vector.shape_cast %slice3A_106 : vector<256x1x24xf32> to vector<256x24xf32>
    %swap3A_108 = arith.constant 0 : index
    %swap3A_109 = arith.constant 110 : index
    %swap3A_110 = vector.load %arg21[%swap3A_108, %swap3A_109] : memref<256x410xf32, #tpu.memory_space<vmem>>, vector<256x24xf32>
    tpu.vector_store %arg21[%swap3A_108, %swap3A_109], %squeeze3A_107 {strides = array<i32>} : memref<256x410xf32, #tpu.memory_space<vmem>>, vector<256x24xf32>,
    %slice3A_111 = vector.extract_strided_slice %dot_general3A_90 {offsets = [0, 4, 4], sizes = [256, 1, 23], strides = [1, 1, 1]} : vector<256x27x27xf32> to vector<256x1x23xf32>
    %squeeze3A_112 = vector.shape_cast %slice3A_111 : vector<256x1x23xf32> to vector<256x23xf32>
    %swap3A_113 = arith.constant 0 : index
    %swap3A_114 = arith.constant 134 : index
    %swap3A_115 = vector.load %arg21[%swap3A_113, %swap3A_114] : memref<256x410xf32, #tpu.memory_space<vmem>>, vector<256x23xf32>
    tpu.vector_store %arg21[%swap3A_113, %swap3A_114], %squeeze3A_112 {strides = array<i32>} : memref<256x410xf32, #tpu.memory_space<vmem>>, vector<256x23xf32>,
    %slice3A_116 = vector.extract_strided_slice %dot_general3A_90 {offsets = [0, 5, 5], sizes = [256, 1, 22], strides = [1, 1, 1]} : vector<256x27x27xf32> to vector<256x1x22xf32>
    %squeeze3A_117 = vector.shape_cast %slice3A_116 : vector<256x1x22xf32> to vector<256x22xf32>
    %swap3A_118 = arith.constant 0 : index
    %swap3A_119 = arith.constant 157 : index
    %swap3A_120 = vector.load %arg21[%swap3A_118, %swap3A_119] : memref<256x410xf32, #tpu.memory_space<vmem>>, vector<256x22xf32>
    tpu.vector_store %arg21[%swap3A_118, %swap3A_119], %squeeze3A_117 {strides = array<i32>} : memref<256x410xf32, #tpu.memory_space<vmem>>, vector<256x22xf32>,
    %slice3A_121 = vector.extract_strided_slice %dot_general3A_90 {offsets = [0, 6, 6], sizes = [256, 1, 21], strides = [1, 1, 1]} : vector<256x27x27xf32> to vector<256x1x21xf32>
    %squeeze3A_122 = vector.shape_cast %slice3A_121 : vector<256x1x21xf32> to vector<256x21xf32>
    %swap3A_123 = arith.constant 0 : index
    %swap3A_124 = arith.constant 179 : index
    %swap3A_125 = vector.load %arg21[%swap3A_123, %swap3A_124] : memref<256x410xf32, #tpu.memory_space<vmem>>, vector<256x21xf32>
    tpu.vector_store %arg21[%swap3A_123, %swap3A_124], %squeeze3A_122 {strides = array<i32>} : memref<256x410xf32, #tpu.memory_space<vmem>>, vector<256x21xf32>,
    %slice3A_126 = vector.extract_strided_slice %dot_general3A_90 {offsets = [0, 7, 7], sizes = [256, 1, 20], strides = [1, 1, 1]} : vector<256x27x27xf32> to vector<256x1x20xf32>
    %squeeze3A_127 = vector.shape_cast %slice3A_126 : vector<256x1x20xf32> to vector<256x20xf32>
    %swap3A_128 = arith.constant 0 : index
    %swap3A_129 = arith.constant 200 : index
    %swap3A_130 = vector.load %arg21[%swap3A_128, %swap3A_129] : memref<256x410xf32, #tpu.memory_space<vmem>>, vector<256x20xf32>
    tpu.vector_store %arg21[%swap3A_128, %swap3A_129], %squeeze3A_127 {strides = array<i32>} : memref<256x410xf32, #tpu.memory_space<vmem>>, vector<256x20xf32>,
    %slice3A_131 = vector.extract_strided_slice %dot_general3A_90 {offsets = [0, 8, 8], sizes = [256, 1, 19], strides = [1, 1, 1]} : vector<256x27x27xf32> to vector<256x1x19xf32>
    %squeeze3A_132 = vector.shape_cast %slice3A_131 : vector<256x1x19xf32> to vector<256x19xf32>
    %swap3A_133 = arith.constant 0 : index
    %swap3A_134 = arith.constant 220 : index
    %swap3A_135 = vector.load %arg21[%swap3A_133, %swap3A_134] : memref<256x410xf32, #tpu.memory_space<vmem>>, vector<256x19xf32>
    tpu.vector_store %arg21[%swap3A_133, %swap3A_134], %squeeze3A_132 {strides = array<i32>} : memref<256x410xf32, #tpu.memory_space<vmem>>, vector<256x19xf32>,
    %slice3A_136 = vector.extract_strided_slice %dot_general3A_90 {offsets = [0, 9, 9], sizes = [256, 1, 18], strides = [1, 1, 1]} : vector<256x27x27xf32> to vector<256x1x18xf32>
    %squeeze3A_137 = vector.shape_cast %slice3A_136 : vector<256x1x18xf32> to vector<256x18xf32>
    %swap3A_138 = arith.constant 0 : index
    %swap3A_139 = arith.constant 239 : index
    %swap3A_140 = vector.load %arg21[%swap3A_138, %swap3A_139] : memref<256x410xf32, #tpu.memory_space<vmem>>, vector<256x18xf32>
    tpu.vector_store %arg21[%swap3A_138, %swap3A_139], %squeeze3A_137 {strides = array<i32>} : memref<256x410xf32, #tpu.memory_space<vmem>>, vector<256x18xf32>,
    %slice3A_141 = vector.extract_strided_slice %dot_general3A_90 {offsets = [0, 10, 10], sizes = [256, 1, 17], strides = [1, 1, 1]} : vector<256x27x27xf32> to vector<256x1x17xf32>
    %squeeze3A_142 = vector.shape_cast %slice3A_141 : vector<256x1x17xf32> to vector<256x17xf32>
    %swap3A_143 = arith.constant 0 : index
    %swap3A_144 = arith.constant 257 : index
    %swap3A_145 = vector.load %arg21[%swap3A_143, %swap3A_144] : memref<256x410xf32, #tpu.memory_space<vmem>>, vector<256x17xf32>
    tpu.vector_store %arg21[%swap3A_143, %swap3A_144], %squeeze3A_142 {strides = array<i32>} : memref<256x410xf32, #tpu.memory_space<vmem>>, vector<256x17xf32>,
    %slice3A_146 = vector.extract_strided_slice %dot_general3A_90 {offsets = [0, 11, 11], sizes = [256, 1, 16], strides = [1, 1, 1]} : vector<256x27x27xf32> to vector<256x1x16xf32>
    %squeeze3A_147 = vector.shape_cast %slice3A_146 : vector<256x1x16xf32> to vector<256x16xf32>
    %swap3A_148 = arith.constant 0 : index
    %swap3A_149 = arith.constant 274 : index
    %swap3A_150 = vector.load %arg21[%swap3A_148, %swap3A_149] : memref<256x410xf32, #tpu.memory_space<vmem>>, vector<256x16xf32>
    tpu.vector_store %arg21[%swap3A_148, %swap3A_149], %squeeze3A_147 {strides = array<i32>} : memref<256x410xf32, #tpu.memory_space<vmem>>, vector<256x16xf32>,
    %slice3A_151 = vector.extract_strided_slice %dot_general3A_90 {offsets = [0, 12, 12], sizes = [256, 1, 15], strides = [1, 1, 1]} : vector<256x27x27xf32> to vector<256x1x15xf32>
    %squeeze3A_152 = vector.shape_cast %slice3A_151 : vector<256x1x15xf32> to vector<256x15xf32>
    %swap3A_153 = arith.constant 0 : index
    %swap3A_154 = arith.constant 290 : index
    %swap3A_155 = vector.load %arg21[%swap3A_153, %swap3A_154] : memref<256x410xf32, #tpu.memory_space<vmem>>, vector<256x15xf32>
    tpu.vector_store %arg21[%swap3A_153, %swap3A_154], %squeeze3A_152 {strides = array<i32>} : memref<256x410xf32, #tpu.memory_space<vmem>>, vector<256x15xf32>,
    %slice3A_156 = vector.extract_strided_slice %dot_general3A_90 {offsets = [0, 13, 13], sizes = [256, 1, 14], strides = [1, 1, 1]} : vector<256x27x27xf32> to vector<256x1x14xf32>
    %squeeze3A_157 = vector.shape_cast %slice3A_156 : vector<256x1x14xf32> to vector<256x14xf32>
    %swap3A_158 = arith.constant 0 : index
    %swap3A_159 = arith.constant 305 : index
    %swap3A_160 = vector.load %arg21[%swap3A_158, %swap3A_159] : memref<256x410xf32, #tpu.memory_space<vmem>>, vector<256x14xf32>
    tpu.vector_store %arg21[%swap3A_158, %swap3A_159], %squeeze3A_157 {strides = array<i32>} : memref<256x410xf32, #tpu.memory_space<vmem>>, vector<256x14xf32>,
    %slice3A_161 = vector.extract_strided_slice %dot_general3A_90 {offsets = [0, 14, 14], sizes = [256, 1, 13], strides = [1, 1, 1]} : vector<256x27x27xf32> to vector<256x1x13xf32>
    %squeeze3A_162 = vector.shape_cast %slice3A_161 : vector<256x1x13xf32> to vector<256x13xf32>
    %swap3A_163 = arith.constant 0 : index
    %swap3A_164 = arith.constant 319 : index
    %swap3A_165 = vector.load %arg21[%swap3A_163, %swap3A_164] : memref<256x410xf32, #tpu.memory_space<vmem>>, vector<256x13xf32>
    tpu.vector_store %arg21[%swap3A_163, %swap3A_164], %squeeze3A_162 {strides = array<i32>} : memref<256x410xf32, #tpu.memory_space<vmem>>, vector<256x13xf32>,
    %slice3A_166 = vector.extract_strided_slice %dot_general3A_90 {offsets = [0, 15, 15], sizes = [256, 1, 12], strides = [1, 1, 1]} : vector<256x27x27xf32> to vector<256x1x12xf32>
    %squeeze3A_167 = vector.shape_cast %slice3A_166 : vector<256x1x12xf32> to vector<256x12xf32>
    %swap3A_168 = arith.constant 0 : index
    %swap3A_169 = arith.constant 332 : index
    %swap3A_170 = vector.load %arg21[%swap3A_168, %swap3A_169] : memref<256x410xf32, #tpu.memory_space<vmem>>, vector<256x12xf32>
    tpu.vector_store %arg21[%swap3A_168, %swap3A_169], %squeeze3A_167 {strides = array<i32>} : memref<256x410xf32, #tpu.memory_space<vmem>>, vector<256x12xf32>,
    %slice3A_171 = vector.extract_strided_slice %dot_general3A_90 {offsets = [0, 16, 16], sizes = [256, 1, 11], strides = [1, 1, 1]} : vector<256x27x27xf32> to vector<256x1x11xf32>
    %squeeze3A_172 = vector.shape_cast %slice3A_171 : vector<256x1x11xf32> to vector<256x11xf32>
    %swap3A_173 = arith.constant 0 : index
    %swap3A_174 = arith.constant 344 : index
    %swap3A_175 = vector.load %arg21[%swap3A_173, %swap3A_174] : memref<256x410xf32, #tpu.memory_space<vmem>>, vector<256x11xf32>
    tpu.vector_store %arg21[%swap3A_173, %swap3A_174], %squeeze3A_172 {strides = array<i32>} : memref<256x410xf32, #tpu.memory_space<vmem>>, vector<256x11xf32>,
    %slice3A_176 = vector.extract_strided_slice %dot_general3A_90 {offsets = [0, 17, 17], sizes = [256, 1, 10], strides = [1, 1, 1]} : vector<256x27x27xf32> to vector<256x1x10xf32>
    %squeeze3A_177 = vector.shape_cast %slice3A_176 : vector<256x1x10xf32> to vector<256x10xf32>
    %swap3A_178 = arith.constant 0 : index
    %swap3A_179 = arith.constant 355 : index
    %swap3A_180 = vector.load %arg21[%swap3A_178, %swap3A_179] : memref<256x410xf32, #tpu.memory_space<vmem>>, vector<256x10xf32>
    tpu.vector_store %arg21[%swap3A_178, %swap3A_179], %squeeze3A_177 {strides = array<i32>} : memref<256x410xf32, #tpu.memory_space<vmem>>, vector<256x10xf32>,
    %slice3A_181 = vector.extract_strided_slice %dot_general3A_90 {offsets = [0, 18, 18], sizes = [256, 1, 9], strides = [1, 1, 1]} : vector<256x27x27xf32> to vector<256x1x9xf32>
    %squeeze3A_182 = vector.shape_cast %slice3A_181 : vector<256x1x9xf32> to vector<256x9xf32>
    %swap3A_183 = arith.constant 0 : index
    %swap3A_184 = arith.constant 365 : index
    %swap3A_185 = vector.load %arg21[%swap3A_183, %swap3A_184] : memref<256x410xf32, #tpu.memory_space<vmem>>, vector<256x9xf32>
    tpu.vector_store %arg21[%swap3A_183, %swap3A_184], %squeeze3A_182 {strides = array<i32>} : memref<256x410xf32, #tpu.memory_space<vmem>>, vector<256x9xf32>,
    %slice3A_186 = vector.extract_strided_slice %dot_general3A_90 {offsets = [0, 19, 19], sizes = [256, 1, 8], strides = [1, 1, 1]} : vector<256x27x27xf32> to vector<256x1x8xf32>
    %squeeze3A_187 = vector.shape_cast %slice3A_186 : vector<256x1x8xf32> to vector<256x8xf32>
    %swap3A_188 = arith.constant 0 : index
    %swap3A_189 = arith.constant 374 : index
    %swap3A_190 = vector.load %arg21[%swap3A_188, %swap3A_189] : memref<256x410xf32, #tpu.memory_space<vmem>>, vector<256x8xf32>
    tpu.vector_store %arg21[%swap3A_188, %swap3A_189], %squeeze3A_187 {strides = array<i32>} : memref<256x410xf32, #tpu.memory_space<vmem>>, vector<256x8xf32>,
    %slice3A_191 = vector.extract_strided_slice %dot_general3A_90 {offsets = [0, 20, 20], sizes = [256, 1, 7], strides = [1, 1, 1]} : vector<256x27x27xf32> to vector<256x1x7xf32>
    %squeeze3A_192 = vector.shape_cast %slice3A_191 : vector<256x1x7xf32> to vector<256x7xf32>
    %swap3A_193 = arith.constant 0 : index
    %swap3A_194 = arith.constant 382 : index
    %swap3A_195 = vector.load %arg21[%swap3A_193, %swap3A_194] : memref<256x410xf32, #tpu.memory_space<vmem>>, vector<256x7xf32>
    tpu.vector_store %arg21[%swap3A_193, %swap3A_194], %squeeze3A_192 {strides = array<i32>} : memref<256x410xf32, #tpu.memory_space<vmem>>, vector<256x7xf32>,
    %slice3A_196 = vector.extract_strided_slice %dot_general3A_90 {offsets = [0, 21, 21], sizes = [256, 1, 6], strides = [1, 1, 1]} : vector<256x27x27xf32> to vector<256x1x6xf32>
    %squeeze3A_197 = vector.shape_cast %slice3A_196 : vector<256x1x6xf32> to vector<256x6xf32>
    %swap3A_198 = arith.constant 0 : index
    %swap3A_199 = arith.constant 389 : index
    %swap3A_200 = vector.load %arg21[%swap3A_198, %swap3A_199] : memref<256x410xf32, #tpu.memory_space<vmem>>, vector<256x6xf32>
    tpu.vector_store %arg21[%swap3A_198, %swap3A_199], %squeeze3A_197 {strides = array<i32>} : memref<256x410xf32, #tpu.memory_space<vmem>>, vector<256x6xf32>,
    %slice3A_201 = vector.extract_strided_slice %dot_general3A_90 {offsets = [0, 22, 22], sizes = [256, 1, 5], strides = [1, 1, 1]} : vector<256x27x27xf32> to vector<256x1x5xf32>
    %squeeze3A_202 = vector.shape_cast %slice3A_201 : vector<256x1x5xf32> to vector<256x5xf32>
    %swap3A_203 = arith.constant 0 : index
    %swap3A_204 = arith.constant 395 : index
    %swap3A_205 = vector.load %arg21[%swap3A_203, %swap3A_204] : memref<256x410xf32, #tpu.memory_space<vmem>>, vector<256x5xf32>
    tpu.vector_store %arg21[%swap3A_203, %swap3A_204], %squeeze3A_202 {strides = array<i32>} : memref<256x410xf32, #tpu.memory_space<vmem>>, vector<256x5xf32>,
    %slice3A_206 = vector.extract_strided_slice %dot_general3A_90 {offsets = [0, 23, 23], sizes = [256, 1, 4], strides = [1, 1, 1]} : vector<256x27x27xf32> to vector<256x1x4xf32>
    %squeeze3A_207 = vector.shape_cast %slice3A_206 : vector<256x1x4xf32> to vector<256x4xf32>
    %swap3A_208 = arith.constant 0 : index
    %swap3A_209 = arith.constant 400 : index
    %swap3A_210 = vector.load %arg21[%swap3A_208, %swap3A_209] : memref<256x410xf32, #tpu.memory_space<vmem>>, vector<256x4xf32>
    tpu.vector_store %arg21[%swap3A_208, %swap3A_209], %squeeze3A_207 {strides = array<i32>} : memref<256x410xf32, #tpu.memory_space<vmem>>, vector<256x4xf32>,
    %slice3A_211 = vector.extract_strided_slice %dot_general3A_90 {offsets = [0, 24, 24], sizes = [256, 1, 3], strides = [1, 1, 1]} : vector<256x27x27xf32> to vector<256x1x3xf32>
    %squeeze3A_212 = vector.shape_cast %slice3A_211 : vector<256x1x3xf32> to vector<256x3xf32>
    %swap3A_213 = arith.constant 0 : index
    %swap3A_214 = arith.constant 404 : index
    %swap3A_215 = vector.load %arg21[%swap3A_213, %swap3A_214] : memref<256x410xf32, #tpu.memory_space<vmem>>, vector<256x3xf32>
    tpu.vector_store %arg21[%swap3A_213, %swap3A_214], %squeeze3A_212 {strides = array<i32>} : memref<256x410xf32, #tpu.memory_space<vmem>>, vector<256x3xf32>,
    %slice3A_216 = vector.extract_strided_slice %dot_general3A_90 {offsets = [0, 25, 25], sizes = [256, 1, 2], strides = [1, 1, 1]} : vector<256x27x27xf32> to vector<256x1x2xf32>
    %squeeze3A_217 = vector.shape_cast %slice3A_216 : vector<256x1x2xf32> to vector<256x2xf32>
    %swap3A_218 = arith.constant 0 : index
    %swap3A_219 = arith.constant 407 : index
    %swap3A_220 = vector.load %arg21[%swap3A_218, %swap3A_219] : memref<256x410xf32, #tpu.memory_space<vmem>>, vector<256x2xf32>
    tpu.vector_store %arg21[%swap3A_218, %swap3A_219], %squeeze3A_217 {strides = array<i32>} : memref<256x410xf32, #tpu.memory_space<vmem>>, vector<256x2xf32>,
    %slice3A_221 = vector.extract_strided_slice %dot_general3A_90 {offsets = [0, 26, 26], sizes = [256, 1, 1], strides = [1, 1, 1]} : vector<256x27x27xf32> to vector<256x1x1xf32>
    %squeeze3A_222 = vector.shape_cast %slice3A_221 : vector<256x1x1xf32> to vector<256x1xf32>
    %swap3A_223 = arith.constant 0 : index
    %swap3A_224 = arith.constant 409 : index
    %swap3A_225 = vector.load %arg21[%swap3A_223, %swap3A_224] : memref<256x410xf32, #tpu.memory_space<vmem>>, vector<256x1xf32>
    tpu.vector_store %arg21[%swap3A_223, %swap3A_224], %squeeze3A_222 {strides = array<i32>} : memref<256x410xf32, #tpu.memory_space<vmem>>, vector<256x1xf32>,
    %get3A_226 = arith.constant 0 : index
    %get3A_227 = arith.constant 0 : index
    %get3A_228 = vector.load %arg21[%get3A_226, %get3A_227] : memref<256x410xf32, #tpu.memory_space<vmem>>, vector<256x410xf32>
    %get3A_229 = arith.constant 0 : index
    %get3A_230 = arith.constant 0 : index
    %get3A_231 = vector.load %arg10[%get3A_229, %get3A_230] : memref<410x1024xf32, #tpu.memory_space<vmem>>, vector<410x1024xf32>
    %dot_general3A_232 = arith.constant dense<0.000000e+00> : vector<256x1024xf32>
    %dot_general3A_233 = tpu.matmul %get3A_228, %get3A_231, %dot_general3A_232 {dimension_numbers = #tpu.dot_dimension_numbers<[1], [0], [0], [1], [0, 0, 1, 1], [], []>, transpose_lhs_hint = false} : vector<256x410xf32>, vector<410x1024xf32>, vector<256x1024xf32> -> vector<256x1024xf32>
    %get3A_234 = arith.constant 0 : index
    %get3A_235 = arith.constant 0 : index
    %get3A_236 = vector.load %arg11[%get3A_234, %get3A_235] : memref<1x1024xf32, #tpu.memory_space<vmem>>, vector<1x1024xf32>
    %add3A_237 = vector.broadcast %get3A_236 : vector<1x1024xf32> to vector<256x1024xf32>
    %add3A_238 = arith.addf %dot_general3A_233, %add3A_237 : vector<256x1024xf32>
    %max3A_239 = arith.constant 0.000000e+00 : f32
    %max3A_240 = vector.broadcast %max3A_239 : f32 to vector<256x1024xf32>
    %max3A_241 = arith.maximumf %add3A_238, %max3A_240 : vector<256x1024xf32>
    %get3A_242 = arith.constant 0 : index
    %get3A_243 = arith.constant 0 : index
    %get3A_244 = vector.load %arg12[%get3A_242, %get3A_243] : memref<1024x1024xf32, #tpu.memory_space<vmem>>, vector<1024x1024xf32>
    %dot_general3A_245 = arith.constant dense<0.000000e+00> : vector<256x1024xf32>
    %dot_general3A_246 = tpu.matmul %max3A_241, %get3A_244, %dot_general3A_245 {dimension_numbers = #tpu.dot_dimension_numbers<[1], [0], [0], [1], [0, 0, 1, 1], [], []>, transpose_lhs_hint = false} : vector<256x1024xf32>, vector<1024x1024xf32>, vector<256x1024xf32> -> vector<256x1024xf32>
    %get3A_247 = arith.constant 0 : index
    %get3A_248 = arith.constant 0 : index
    %get3A_249 = vector.load %arg13[%get3A_247, %get3A_248] : memref<1x1024xf32, #tpu.memory_space<vmem>>, vector<1x1024xf32>
    %add3A_250 = vector.broadcast %get3A_249 : vector<1x1024xf32> to vector<256x1024xf32>
    %add3A_251 = arith.addf %dot_general3A_246, %add3A_250 : vector<256x1024xf32>
    %max3A_252 = arith.constant 0.000000e+00 : f32
    %max3A_253 = vector.broadcast %max3A_252 : f32 to vector<256x1024xf32>
    %max3A_254 = arith.maximumf %add3A_251, %max3A_253 : vector<256x1024xf32>
    %get3A_255 = arith.constant 0 : index
    %get3A_256 = arith.constant 0 : index
    %get3A_257 = vector.load %arg14[%get3A_255, %get3A_256] : memref<1024x512xf32, #tpu.memory_space<vmem>>, vector<1024x512xf32>
    %dot_general3A_258 = arith.constant dense<0.000000e+00> : vector<256x512xf32>
    %dot_general3A_259 = tpu.matmul %max3A_254, %get3A_257, %dot_general3A_258 {dimension_numbers = #tpu.dot_dimension_numbers<[1], [0], [0], [1], [0, 0, 1, 1], [], []>, transpose_lhs_hint = false} : vector<256x1024xf32>, vector<1024x512xf32>, vector<256x512xf32> -> vector<256x512xf32>
    %get3A_260 = arith.constant 0 : index
    %get3A_261 = arith.constant 0 : index
    %get3A_262 = vector.load %arg15[%get3A_260, %get3A_261] : memref<1x512xf32, #tpu.memory_space<vmem>>, vector<1x512xf32>
    %add3A_263 = vector.broadcast %get3A_262 : vector<1x512xf32> to vector<256x512xf32>
    %add3A_264 = arith.addf %dot_general3A_259, %add3A_263 : vector<256x512xf32>
    %max3A_265 = arith.constant 0.000000e+00 : f32
    %max3A_266 = vector.broadcast %max3A_265 : f32 to vector<256x512xf32>
    %max3A_267 = arith.maximumf %add3A_264, %max3A_266 : vector<256x512xf32>
    %get3A_268 = arith.constant 0 : index
    %get3A_269 = arith.constant 0 : index
    %get3A_270 = vector.load %arg16[%get3A_268, %get3A_269] : memref<512x256xf32, #tpu.memory_space<vmem>>, vector<512x256xf32>
    %dot_general3A_271 = arith.constant dense<0.000000e+00> : vector<256x256xf32>
    %dot_general3A_272 = tpu.matmul %max3A_267, %get3A_270, %dot_general3A_271 {dimension_numbers = #tpu.dot_dimension_numbers<[1], [0], [0], [1], [0, 0, 1, 1], [], []>, transpose_lhs_hint = false} : vector<256x512xf32>, vector<512x256xf32>, vector<256x256xf32> -> vector<256x256xf32>
    %get3A_273 = arith.constant 0 : index
    %get3A_274 = arith.constant 0 : index
    %get3A_275 = vector.load %arg17[%get3A_273, %get3A_274] : memref<1x256xf32, #tpu.memory_space<vmem>>, vector<1x256xf32>
    %add3A_276 = vector.broadcast %get3A_275 : vector<1x256xf32> to vector<256x256xf32>
    %add3A_277 = arith.addf %dot_general3A_272, %add3A_276 : vector<256x256xf32>
    %max3A_278 = arith.constant 0.000000e+00 : f32
    %max3A_279 = vector.broadcast %max3A_278 : f32 to vector<256x256xf32>
    %max3A_280 = arith.maximumf %add3A_277, %max3A_279 : vector<256x256xf32>
    %get3A_281 = arith.constant 0 : index
    %get3A_282 = arith.constant 0 : index
    %get3A_283 = vector.load %arg18[%get3A_281, %get3A_282] : memref<256x1xf32, #tpu.memory_space<vmem>>, vector<256x1xf32>
    %dot_general3A_284 = arith.constant dense<0.000000e+00> : vector<256x1xf32>
    %dot_general3A_285 = tpu.matmul %max3A_280, %get3A_283, %dot_general3A_284 {dimension_numbers = #tpu.dot_dimension_numbers<[1], [0], [0], [1], [0, 0, 1, 1], [], []>, transpose_lhs_hint = false} : vector<256x256xf32>, vector<256x1xf32>, vector<256x1xf32> -> vector<256x1xf32>
    %get3A_286 = arith.constant 0 : index
    %get3A_287 = arith.constant 0 : index
    %get3A_288 = vector.load %arg19[%get3A_286, %get3A_287] : memref<1x1xf32, #tpu.memory_space<vmem>>, vector<1x1xf32>
    %add3A_289 = vector.broadcast %get3A_288 : vector<1x1xf32> to vector<256x1xf32>
    %add3A_290 = arith.addf %dot_general3A_285, %add3A_289 : vector<256x1xf32>
    %logistic3A = arith.negf %add3A_290 : vector<256x1xf32>
    %logistic3A_291 = math.exp %logistic3A : vector<256x1xf32>
    %logistic3A_292 = arith.constant 1.000000e+00 : f32
    %logistic3A_293 = vector.broadcast %logistic3A_292 : f32 to vector<256x1xf32>
    %logistic3A_294 = arith.addf %logistic3A_293, %logistic3A_291 : vector<256x1xf32>
    %logistic3A_295 = arith.divf %logistic3A_293, %logistic3A_294 : vector<256x1xf32>
    %swap3A_296 = arith.constant 0 : index
    %swap3A_297 = arith.constant 0 : index
    %swap3A_298 = vector.load %arg20[%swap3A_296, %swap3A_297] : memref<256x1xf32, #tpu.memory_space<vmem>>, vector<256x1xf32>
    tpu.vector_store %arg20[%swap3A_296, %swap3A_297], %logistic3A_295 {strides = array<i32>} : memref<256x1xf32, #tpu.memory_space<vmem>>, vector<256x1xf32>,
    return
  }
  func.func @transform_0(%arg0: i32) -> (i32, i32) {
    %c0_i32 = arith.constant 0 : i32
    %c0_i32_0 = arith.constant 0 : i32
    return %arg0, %c0_i32 : i32, i32
  }
  func.func @transform_1(%arg0: i32) -> (i32, i32, i32) {
    %c0_i32 = arith.constant 0 : i32
    %c0_i32_0 = arith.constant 0 : i32
    %c0_i32_1 = arith.constant 0 : i32
    return %arg0, %c0_i32, %c0_i32_0 : i32, i32, i32
  }
  func.func @transform_2(%arg0: i32) -> (i32, i32) {
    %c0_i32 = arith.constant 0 : i32
    %c0_i32_0 = arith.constant 0 : i32
    return %arg0, %c0_i32 : i32, i32
  }
  func.func @transform_3(%arg0: i32) -> (i32, i32) {
    %c0_i32 = arith.constant 0 : i32
    %c0_i32_0 = arith.constant 0 : i32
    %c0_i32_1 = arith.constant 0 : i32
    return %c0_i32, %c0_i32_0 : i32, i32
  }
  func.func @transform_4(%arg0: i32) -> (i32, i32) {
    %c0_i32 = arith.constant 0 : i32
    %c0_i32_0 = arith.constant 0 : i32
    %c0_i32_1 = arith.constant 0 : i32
    return %c0_i32, %c0_i32_0 : i32, i32
  }
  func.func @transform_5(%arg0: i32) -> (i32, i32) {
    %c0_i32 = arith.constant 0 : i32
    %c0_i32_0 = arith.constant 0 : i32
    %c0_i32_1 = arith.constant 0 : i32
    return %c0_i32, %c0_i32_0 : i32, i32
  }
  func.func @transform_6(%arg0: i32) -> (i32, i32) {
    %c0_i32 = arith.constant 0 : i32
    %c0_i32_0 = arith.constant 0 : i32
    %c0_i32_1 = arith.constant 0 : i32
    return %c0_i32, %c0_i32_0 : i32, i32
  }
  func.func @transform_7(%arg0: i32) -> (i32, i32) {
    %c0_i32 = arith.constant 0 : i32
    %c0_i32_0 = arith.constant 0 : i32
    %c0_i32_1 = arith.constant 0 : i32
    return %c0_i32, %c0_i32_0 : i32, i32
  }
  func.func @transform_8(%arg0: i32) -> (i32, i32) {
    %c0_i32 = arith.constant 0 : i32
    %c0_i32_0 = arith.constant 0 : i32
    %c0_i32_1 = arith.constant 0 : i32
    return %c0_i32, %c0_i32_0 : i32, i32
  }
  func.func @transform_9(%arg0: i32) -> (i32, i32) {
    %c0_i32 = arith.constant 0 : i32
    %c0_i32_0 = arith.constant 0 : i32
    %c0_i32_1 = arith.constant 0 : i32
    return %c0_i32, %c0_i32_0 : i32, i32
  }
  func.func @transform_10(%arg0: i32) -> (i32, i32) {
    %c0_i32 = arith.constant 0 : i32
    %c0_i32_0 = arith.constant 0 : i32
    %c0_i32_1 = arith.constant 0 : i32
    return %c0_i32, %c0_i32_0 : i32, i32
  }
  func.func @transform_11(%arg0: i32) -> (i32, i32) {
    %c0_i32 = arith.constant 0 : i32
    %c0_i32_0 = arith.constant 0 : i32
    %c0_i32_1 = arith.constant 0 : i32
    return %c0_i32, %c0_i32_0 : i32, i32
  }
  func.func @transform_12(%arg0: i32) -> (i32, i32) {
    %c0_i32 = arith.constant 0 : i32
    %c0_i32_0 = arith.constant 0 : i32
    %c0_i32_1 = arith.constant 0 : i32
    return %c0_i32, %c0_i32_0 : i32, i32
  }
  func.func @transform_13(%arg0: i32) -> (i32, i32) {
    %c0_i32 = arith.constant 0 : i32
    %c0_i32_0 = arith.constant 0 : i32
    %c0_i32_1 = arith.constant 0 : i32
    return %c0_i32, %c0_i32_0 : i32, i32
  }
  func.func @transform_14(%arg0: i32) -> (i32, i32) {
    %c0_i32 = arith.constant 0 : i32
    %c0_i32_0 = arith.constant 0 : i32
    %c0_i32_1 = arith.constant 0 : i32
    return %c0_i32, %c0_i32_0 : i32, i32
  }
  func.func @transform_15(%arg0: i32) -> (i32, i32) {
    %c0_i32 = arith.constant 0 : i32
    %c0_i32_0 = arith.constant 0 : i32
    %c0_i32_1 = arith.constant 0 : i32
    return %c0_i32, %c0_i32_0 : i32, i32
  }
  func.func @transform_16(%arg0: i32) -> (i32, i32) {
    %c0_i32 = arith.constant 0 : i32
    %c0_i32_0 = arith.constant 0 : i32
    %c0_i32_1 = arith.constant 0 : i32
    return %c0_i32, %c0_i32_0 : i32, i32
  }
  func.func @transform_17(%arg0: i32) -> (i32, i32) {
    %c0_i32 = arith.constant 0 : i32
    %c0_i32_0 = arith.constant 0 : i32
    %c0_i32_1 = arith.constant 0 : i32
    return %c0_i32, %c0_i32_0 : i32, i32
  }
  func.func @transform_18(%arg0: i32) -> (i32, i32) {
    %c0_i32 = arith.constant 0 : i32
    %c0_i32_0 = arith.constant 0 : i32
    %c0_i32_1 = arith.constant 0 : i32
    return %c0_i32, %c0_i32_0 : i32, i32
  }
  func.func @transform_19(%arg0: i32) -> (i32, i32) {
    %c0_i32 = arith.constant 0 : i32
    %c0_i32_0 = arith.constant 0 : i32
    return %arg0, %c0_i32 : i32, i32
  }
}

</mosaic_0001>

<sc_bundles>
// kernel: kernel.5.cloned.1.call-start
scs
__scs_entry_jumppad:
0x0: {  	(pc) =	sbr.rel $0x88, $3  }
0x1: {  	(tag) =	ssettag $0x0;
	lr =	simm.s32 $0x1  }
0x2: {  	[smem:$0x3F8E] =	sst lr;
	_ =	strace $0xD0000000  }
0x3: {  	_ = 	snop  }
0x4: {  	_ = 	snop  }
0x5: {  	_ = 	snop  }
0x6: {  	_ = 	snop  }
0x7: {  	_ = 	snop  }
__scs_overlays_trampoline_lowered:
0x8: {  	[smem:$0x3F9D] =	sst s0  }
0x9: {  	[smem:$0x3F9E] =	sst s1  }
0xa: {  	[smem:$0x3F9F] =	sst s2  }
0xb: {  	[smem:$0x3FA0] =	sst s3  }
0xc: {  	[smem:$0x3FA1] =	sst s4  }
0xd: {  	[smem:$0x3FA2] =	sst s5  }
0xe: {  	[smem:$0x3FA3] =	sst s6  }
0xf: {  	[smem:$0x3FA4] =	sst s7  }
0x10: {  	[smem:$0x3FA5] =	sst s8  }
0x11: {  	[smem:$0x3FA6] =	sst s9;
	s0 =	simm.s32 @!p0 $0x0  }
0x12: {  	s1 =	sld [smem:$0x3F8C];
	s0 =	simm.s32 @p0 $0x1  }
0x13: {  	[smem:$0x3FA7] =	sst s0;
	s0 =	simm.s32 @!p1 $0x0  }
0x14: {  	s2 =	sld [smem:$0x3F8B];
	s0 =	simm.s32 @p1 $0x1  }
0x15: {  	[smem:$0x3FA8] =	sst s0;
	s0 =	simm.s32 @!p2 $0x0  }
0x16: {  	s3 =	sld [smem:$0x3FDB];
	s0 =	simm.s32 @p2 $0x1  }
0x17: {  	s4 =	simm.s32 $0x1BF5;
	[smem:$0x3FAA] =	sst s0  }
0x18: {  	s0 =	sld [smem:$0x3F8D];
	_ =	swait.ge [sflag:s4], $0x0  }
0x19: {  	s7 =	sld [smem:$0x3F8E]  }
0x1a: {  	s8 =	sadd.s32 $0xFFFFE003, lr  }
0x1b: {  	s9 =	sadd.s32 $0xFFFFFEF7, lr;
	s5 =	simm.s32 $0xFFFFFFFF;
	p2 =	slt.u32 s8, $0xFFFFF086  }
0x1c: {  	p1 =	slt.u32 s9, $0xF7A;
	s5 =	simm.s32 @!p2 $0x0  }
0x1d: {  	s5 =	simm.s32 @p1 $0x1;
	p0 =	seq.s32 s7, s2  }
0x1e: {  	s7 =	smul.u32 @!p0 $0xF7A, s2;
	p2 =	seq.s32 @!p0 s5, $0x0  }
0x1f: {  	s9 =	smul.u32 $0xF7A, s1;
	s8 =	simm.s32 @!p0 $0x1BF5;
	p2 =	por !p2, p0  }
0x20: {  	[sflag:s8] =	ssyncset.s32 @!p0 $0xFFFFF086;
	s6 =	sadd.s32 @!p0 s3, s7;
	s7 =	simm.s32 @!p0 $0x108  }
0x21: {  	s3 =	sadd.s32 s3, s9;
	s6 =	sadd.s32 @!p0 $0x88, s6;
	s7 =	simm.s32 @p2 $0x1082  }
0x22: {  	[simem:s7], [sflag:s8] =	dma.local @!p0 [hbm:s6], $0xF7A  }
0x23: {  	s9 =	sor.u32 $0xD0000000, s2;
	s6 =	simm.s32 $0x108;
	_ =	swait.ge @!p0 [sflag:s8], $0x0  }
0x24: {  	s3 =	sadd.s32 $0x88, s3;
	s6 =	simm.s32 @!p1 $0x1082;
	[sflag:s4] =	ssyncset.s32 $0xFFFFF086  }
0x25: {  	[simem:s6], [sflag:s4] =	dma.local [hbm:s3], $0xF7A  }
0x26: {  	[smem:$0x3F8E] =	sst s1;
	(tag) =	ssettag s2;
	_ =	strace s9  }
0x27: {  	s1 =	sld [smem:$0x3F9E]  }
0x28: {  	s2 =	sld [smem:$0x3F9F]  }
0x29: {  	s4 =	sld [smem:$0x3FA1]  }
0x2a: {  	p0 =	seq.s32 s5, $0x0;
	s5 =	sld [smem:$0x3FA2]  }
0x2b: {  	s6 =	sld [smem:$0x3FA3]  }
0x2c: {  	s7 =	sld [smem:$0x3FA4]  }
0x2d: {  	s3 =	simm.s32 $0x108;
	s8 =	sld [smem:$0x3FA5]  }
0x2e: {  	s3 =	simm.s32 @!p0 $0x1082;
	s9 =	sld [smem:$0x3FA6]  }
0x2f: {  	lr =	sadd.s32 s0, s3;
	s0 =	sld [smem:$0x3F9D]  }
0x30: {  	s3 =	sld [smem:$0x3FA0]  }
0x31: {  	[smem:$0x3FA9] =	sst s10  }
0x32: {  	s10 =	sld [smem:$0x3FA7];
	_ =	sdelay $0x3  }
0x33: {  	p0 =	seq.s32 s10, $0x1;
	s10 =	sld [smem:$0x3FA9];
	_ =	sdelay $0x3  }
0x34: {  	[smem:$0x3FA9] =	sst s10  }
0x35: {  	s10 =	sld [smem:$0x3FA8];
	_ =	sdelay $0x3  }
0x36: {  	p1 =	seq.s32 s10, $0x1;
	s10 =	sld [smem:$0x3FA9];
	_ =	sdelay $0x3  }
0x37: {  	[smem:$0x3FA9] =	sst s10  }
0x38: {  	s10 =	sld [smem:$0x3FAA]  }
0x39: {  	_ = 	snop;
	(pc) =	sbr.ind lr, $3  }
0x3a: {  	_ = 	snop  }
0x3b: {  	_ = 	snop  }
0x3c: {  	p2 =	seq.s32 s10, $0x1;
	s10 =	sld [smem:$0x3FA9]  }
0x3d: {  	_ =	shalt  }
0x3e: {  	_ =	shalt  }
0x3f: {  	_ =	shalt  }
0x40: {  	_ =	shalt  }
0x41: {  	_ =	shalt  }
0x42: {  	_ =	shalt  }
0x43: {  	_ =	shalt  }
0x44: {  	_ =	shalt  }
0x45: {  	_ =	shalt  }
0x46: {  	_ =	shalt  }
0x47: {  	_ =	shalt  }
0x48: {  	_ =	shalt  }
0x49: {  	_ =	shalt  }
0x4a: {  	_ =	shalt  }
0x4b: {  	_ =	shalt  }
0x4c: {  	_ =	shalt  }
0x4d: {  	_ =	shalt  }
0x4e: {  	_ =	shalt  }
0x4f: {  	_ =	shalt  }
0x50: {  	_ =	shalt  }
0x51: {  	_ =	shalt  }
0x52: {  	_ =	shalt  }
0x53: {  	_ =	shalt  }
0x54: {  	_ =	shalt  }
0x55: {  	_ =	shalt  }
0x56: {  	_ =	shalt  }
0x57: {  	_ =	shalt  }
0x58: {  	_ =	shalt  }
0x59: {  	_ =	shalt  }
0x5a: {  	_ =	shalt  }
0x5b: {  	_ =	shalt  }
0x5c: {  	_ =	shalt  }
0x5d: {  	_ =	shalt  }
0x5e: {  	_ =	shalt  }
0x5f: {  	_ =	shalt  }
0x60: {  	_ =	shalt  }
0x61: {  	_ =	shalt  }
0x62: {  	_ =	shalt  }
0x63: {  	_ =	shalt  }
0x64: {  	_ =	shalt  }
0x65: {  	_ =	shalt  }
0x66: {  	_ =	shalt  }
0x67: {  	_ =	shalt  }
0x68: {  	_ =	shalt  }
0x69: {  	_ =	shalt  }
0x6a: {  	_ =	shalt  }
0x6b: {  	_ =	shalt  }
0x6c: {  	_ =	shalt  }
0x6d: {  	_ =	shalt  }
0x6e: {  	_ =	shalt  }
0x6f: {  	_ =	shalt  }
0x70: {  	_ =	shalt  }
0x71: {  	_ =	shalt  }
0x72: {  	_ =	shalt  }
0x73: {  	_ =	shalt  }
0x74: {  	_ =	shalt  }
0x75: {  	_ =	shalt  }
0x76: {  	_ =	shalt  }
0x77: {  	_ =	shalt  }
0x78: {  	_ =	shalt  }
0x79: {  	_ =	shalt  }
0x7a: {  	_ =	shalt  }
0x7b: {  	_ =	shalt  }
0x7c: {  	_ =	shalt  }
0x7d: {  	_ =	shalt  }
0x7e: {  	_ =	shalt  }
0x7f: {  	_ =	shalt  }
0x80: {  	_ =	shalt  }
0x81: {  	_ =	shalt  }
0x82: {  	_ =	shalt  }
0x83: {  	_ =	shalt  }
0x84: {  	_ =	shalt  }
0x85: {  	_ =	shalt  }
0x86: {  	_ =	shalt  }
0x87: {  	_ =	shalt  }
.Lfunc_end0:
.L_simem_size_0:
called_computation_lowered:
.L_overlay_start_0:
0x88: {  	s2 =	sld [smem:$0x3FD9]  }
0x89: {  	s3 =	sld [smem:$0x3FFE];
	_ =	sdelay $0x1  }
0x8a: {  	s1 =	srdreg.scid  }
0x8b: {  	s0 =	sand.u32 $0x1, s1  }
0x8c: {  	s16 =	sshll.u32 s0, $0xA;
	s2 =	sadd.s32 s3, s2  }
0x8d: {  	s2 =	sadd.s32 s2, s16  }
0x8e: {  	[smem:$0x3FB5] =	sst s2  }
0x8f: {  	_ = 	snop  }
0x90: {  	(tm) =	ssettm $0x1  }
0x91: {  	s17 =	sld [smem:$0x3FFB];
	_ =	sdelay $0x3  }
0x92: {  	_ =	strace s17  }
0x93: {  	s2 =	sld [smem:$0x3FFC];
	_ =	sdelay $0x3  }
0x94: {  	_ =	strace s2  }
0x95: {  	s2 =	sld [smem:$0x3FFD];
	_ =	sdelay $0x3  }
0x96: {  	_ =	strace s2  }
0x97: {  	_ =	strace $0x8FFFFFFF  }
0x98: {  	s18 =	sld [smem:$0x3FDB];
	_ =	sdelay $0x1  }
0x99: {  	s19 =	simm.s32 $_scs_section_size  }
0x9a: {  	s4 =	simm.s32 $_size__tile_overlayer_lowered;
	s5 =	simm.s32 $_tile_overlayer_lowered  }
0x9b: {  	s22 =	simm.s32 $0x1BFF;
	s21 =	sshll.u32 s5, $0x1;
	s2 =	sadd.s32 s19, s18  }
0x9c: {  	s6 =	simm.s32 $0x0;
	s20 =	sshll.u32 s4, $0x1;
	s4 =	sadd.s32 s21, s2  }
0x9d: {  	[timem:s6], [sflag:s22] =	dma.local [hbm:s4], s20  }
0x9e: {  	_ =	swait.ge [sflag:s22], s20  }
0x9f: {  	s3 =	ssub.s32 $0x0, s20;
	[sflag:s22] =	ssyncset.done $0x0  }
0xa0: {  	[sflag:s22] =	ssyncadd.s32 s3;
	_ =	sdelay $0x1  }
0xa1: {  	s23 =	simm.s32 $0x1B8B  }
0xa2: {  	_ =	swait.ge [sflag:s23], $0x1  }
0xa3: {  	[sflag:s23] =	ssyncset.done $0x0  }
0xa4: {  	s25 =	simm.s32 $0x1B8E;
	s24 =	sld [smem:$0x3FFE];
	[sflag:s23] =	ssyncadd.s32 $0xFFFFFFFF  }
0xa5: {  	s26 =	simm.s32 $execute0_lowered;
	[smem:$0x3FD2] =	sst s25  }
0xa6: {  	s4 =	sshll.u32 s26, $0x1;
	_ =	strace $0x80000046;
	[dreg:$0x1] =	wrdreg $0xFFFFFFFF  }
0xa7: {  	s28 =	simm.s32 $_size_execute0_lowered;
	s2 =	sadd.s32 s2, s4;
	[dreg:$0x0] =	wrdreg $0x0  }
0xa8: {  	s4 =	sshll.u32 s28, $0x1;
	[dreg:$0x2] =	wrdreg s2  }
0xa9: {  	[dreg:$0x3] =	wrdreg s4  }
0xaa: {  	[dreg:$0x4] =	wrdreg $0xC0  }
0xab: {  	_ =	task [dreg:s6], $0x5FFFF  }
0xac: {  	[dreg:$0x1] =	wrdreg $0xFFFFFFFF  }
0xad: {  	[dreg:$0x0] =	wrdreg $0x60  }
0xae: {  	[dreg:$0x2] =	wrdreg s24  }
0xaf: {  	[dreg:$0x3] =	wrdreg $0x9  }
0xb0: {  	_ =	task.clear_ibuf [dreg:s6], $0x4FFFF;
	_ =	strace $0x90000046  }
0xb1: {  	s29 =	simm.s32 $0x9;
	_ =	strace $0x80000048  }
0xb2: {  	_ =	swait.ge [sflag:s29], $0x1  }
0xb3: {  	[sflag:s29] =	ssyncadd.s32 $0xFFFFFFFF  }
0xb4: {  	_ =	strace $0x90000048  }
0xb5: {  	_ =	sfence  }
0xb6: {  	s30 =	sld [smem:$0x0];
	_ =	sdelay $0x2  }
0xb7: {  	s31 =	sshll.u32 s1, $0xD;
	s1 =	sshrl.u32 s1, $0x2  }
0xb8: {  	s3 =	sand.u32 $0x4000, s31;
	s1 =	sadd.s32 s1, s30  }
0xb9: {  	s0 =	sor.u32 s3, s0;
	s1 =	sshll.u32 s1, $0x11  }
0xba: {  	s0 =	sor.u32 s1, s0  }
0xbb: {  	s0 =	sadd.s32 $0x8F2B, s0  }
0xbc: {  	[sflag:s0] =	ssyncadd.remote.s32 $0x1  }
0xbd: {  	_ =	sfence.sel $0xFFFF  }
0xbe: {  	[dreg:$0x0] =	wrdreg $0xFFFFFFFF;
	(pc) =	sbr.abs _section_cstart, $3  }
0xbf: {  	[dreg:$0x1] =	wrdreg $0xFFFFFFFF  }
0xc0: {  	_ =	task.clear_ibuf [dreg:s6], $0x2FFFF;
	_ =	strace $0x9FFFFFFF  }
0xc1: {  	(tm) =	ssettm $0x7FFFFFFF  }
tec
execute0_lowered:
.L_overlay_start_1:
0x0: {  	(tag) =	ssettag $0x1  }
0x1: {  	s13 =	rddreg [dreg:$0x0]  }
0x2: {  	s0 =	rddreg [dreg:$0x1]  }
0x3: {  	s2 =	simm.s32 $0x0;
	s4 =	srdreg.scid;
	s1 =	stileid.u32  }
0x4: {  	s15 =	simm.s32 $0x8000;
	s16 =	simm.s32 $0x1;
	s17 =	simm.s32 $0x10000  }
0x5: {  	s18 =	simm.s32 $0x12000;
	s19 =	simm.s32 $0x2;
	s20 =	simm.s32 $0x3  }
0x6: {  	s21 =	simm.s32 $0x0;
	[smem:$0x7FF] =	sst s2;
	s3 =	sadd.s32 $0x2E00, s13  }
0x7: {  	s5 =	sand.u32 $0x1, s4;
	s6 =	sshll.u32 s1, $0x1;
	s4 =	sadd.s32 $0x27AF200, s13  }
0x8: {  	s12 =	sadd.s32 $0x27AEE00, s13;
	s13 =	sadd.s32 $0x319A200, s13;
	s7 =	ssub.s32 $0x2, s5  }
0x9: {  	_ =	strace $0x80000047;
	s5 =	sor.u32 s5, s6;
	s29 =	sshrl.u32 s7, $0x1  }
.Ltmp0:
0xa: {  	s8 =	sshll.u32 s5, $0xC;
	s9 =	sor.u32 $0x20, s5;
	(pc) =	sbr.rel .LBB2_1-.Ltmp0, $4  }
0xb: {  	s31 =	sshll.u32 s5, $0xA;
	s11 =	sor.u32 $0x40, s5;
	p0 =	sne.s32 s5, $0xC  }
0xc: {  	s14 =	ssub.s32 s7, s29;
	s6 =	sadd.s32 s3, s8;
	s30 =	sshll.u32 s9, $0xC  }
0xd: {  	s10 =	sshll.u32 s9, $0xA;
	s8 =	sadd.s32 s4, s31;
	s7 =	sadd.s32 s3, s30  }
0xe: {  	s9 =	sadd.s32 $0x40000, s6;
	s10 =	sadd.s32 s4, s10;
	s14 =	smax.u32 s14, $0x1  }
.LBB2_19:
0xf: {  	s21 =	sadd.s32 $0x1, s21  }
0x10: {  	p1 =	sne.s32 s21, s14  }
.Ltmp1:
0x11: {  	_ = 	snop;
	(pc) =	sbr.rel @!p1 .LBB2_20-.Ltmp1, $1  }
0x12: {  	_ =	sdelay $0x3  }
.LBB2_1:
0x13: {  	[tilespmem:s2], [sflag:$0x1] =	stream.linear.gather [hbm4b:s6+s2], $0x8000, $0x38;
	[tilespmem:$0x14000] =	vst v63  }
0x14: {  	_ = 	snop  }
0x15: {  	[tilespmem:s15], [sflag:$0x1] =	stream.linear.gather [hbm4b:s7+s2], $0x8000, $0x38;
	[tilespmem:$0x14000] =	vst v63  }
0x16: {  	_ =	swait.ge [sflag:s16], $0x8000  }
0x17: {  	[sflag:s16] =	ssyncset.done $0x0  }
0x18: {  	s23 =	simm.s32 $0x0;
	[sflag:s16] =	ssyncadd.s32 $0xFFFF8000  }
0x19: {  	v0 =	vld [tilespmem:s23+$0x0];
	_ =	sdelay $0x3  }
0x1a: {  	s22 =	simm.s32 $0x10040  }
0x1b: {  	[tilespmem:s22+$0xFFFFFFC0] =	vst v0  }
0x1c: {  	v0 =	vld [tilespmem:s23+$0x10];
	_ =	sdelay $0x4  }
0x1d: {  	[tilespmem:s22+$0xFFFFFFD0] =	vst v0  }
0x1e: {  	v0 =	vld [tilespmem:s23+$0x80];
	_ =	sdelay $0x4  }
0x1f: {  	[tilespmem:s22+$0xFFFFFFE0] =	vst v0  }
0x20: {  	v0 =	vld [tilespmem:s23+$0x90];
	_ =	sdelay $0x4  }
0x21: {  	[tilespmem:s22+$0xFFFFFFF0] =	vst v0  }
0x22: {  	v0 =	vld [tilespmem:s23+$0x100];
	_ =	sdelay $0x4  }
0x23: {  	[tilespmem:s22+$0x0] =	vst v0  }
0x24: {  	v0 =	vld [tilespmem:s23+$0x110];
	_ =	sdelay $0x4  }
0x25: {  	[tilespmem:s22+$0x10] =	vst v0  }
0x26: {  	v0 =	vld [tilespmem:s23+$0x180];
	_ =	sdelay $0x4  }
0x27: {  	[tilespmem:s22+$0x20] =	vst v0  }
0x28: {  	v0 =	vld [tilespmem:s23+$0x190];
	_ =	sdelay $0x4  }
0x29: {  	s24 =	simm.s32 $0x1000;
	s23 =	simm.s32 $0x200;
	[tilespmem:s22+$0x30] =	vst v0  }
.LBB2_2:
0x2a: {  	p1 =	sne.s32 s24, $0x1F800;
	v0 =	vld [tilespmem:s23+$0x0];
	_ =	sdelay $0x3  }
0x2b: {  	s22 =	sadd.s32 $0x80, s22  }
0x2c: {  	[tilespmem:s22+$0xFFFFFFC0] =	vst v0  }
0x2d: {  	v0 =	vld [tilespmem:s23+$0x10];
	_ =	sdelay $0x4  }
0x2e: {  	[tilespmem:s22+$0xFFFFFFD0] =	vst v0  }
0x2f: {  	v0 =	vld [tilespmem:s23+$0x80];
	_ =	sdelay $0x4  }
0x30: {  	[tilespmem:s22+$0xFFFFFFE0] =	vst v0  }
0x31: {  	v0 =	vld [tilespmem:s23+$0x90];
	_ =	sdelay $0x4  }
0x32: {  	[tilespmem:s22+$0xFFFFFFF0] =	vst v0  }
0x33: {  	v0 =	vld [tilespmem:s23+$0x100];
	_ =	sdelay $0x4  }
0x34: {  	[tilespmem:s22+$0x0] =	vst v0  }
0x35: {  	v0 =	vld [tilespmem:s23+$0x110];
	_ =	sdelay $0x4  }
0x36: {  	[tilespmem:s22+$0x10] =	vst v0  }
0x37: {  	v0 =	vld [tilespmem:s23+$0x180];
	_ =	sdelay $0x4  }
0x38: {  	[tilespmem:s22+$0x20] =	vst v0  }
0x39: {  	v0 =	vld [tilespmem:s23+$0x190]  }
.Ltmp2:
0x3a: {  	(pc) =	sbr.rel @p1 .LBB2_2-.Ltmp2, $2  }
0x3b: {  	_ =	sdelay $0x2  }
0x3c: {  	s23 =	sshra.s32 s24, $0x2;
	s24 =	sadd.s32 $0x800, s24;
	[tilespmem:s22+$0x30] =	vst v0  }
0x3d: {  	v0 =	vld [tilespmem:s23+$0x0];
	_ =	sdelay $0x3  }
0x3e: {  	s22 =	sadd.s32 $0x80, s22  }
0x3f: {  	[tilespmem:s22+$0xFFFFFFC0] =	vst v0  }
0x40: {  	v0 =	vld [tilespmem:s23+$0x10];
	_ =	sdelay $0x4  }
0x41: {  	[tilespmem:s22+$0xFFFFFFD0] =	vst v0  }
0x42: {  	v0 =	vld [tilespmem:s23+$0x80];
	_ =	sdelay $0x4  }
0x43: {  	[tilespmem:s22+$0xFFFFFFE0] =	vst v0  }
0x44: {  	v0 =	vld [tilespmem:s23+$0x90];
	_ =	sdelay $0x4  }
0x45: {  	[tilespmem:s22+$0xFFFFFFF0] =	vst v0  }
0x46: {  	v0 =	vld [tilespmem:s23+$0x100];
	_ =	sdelay $0x4  }
0x47: {  	[tilespmem:s22+$0x0] =	vst v0  }
0x48: {  	v0 =	vld [tilespmem:s23+$0x110];
	_ =	sdelay $0x4  }
0x49: {  	[tilespmem:s22+$0x10] =	vst v0  }
0x4a: {  	v0 =	vld [tilespmem:s23+$0x180];
	_ =	sdelay $0x4  }
0x4b: {  	[tilespmem:s22+$0x20] =	vst v0  }
0x4c: {  	v0 =	vld [tilespmem:s23+$0x190];
	_ =	sdelay $0x4  }
0x4d: {  	s30 =	simm.s32 $0x0;
	[tilespmem:s22+$0x30] =	vst v0  }
0x4e: {  	[hbm4b:s8+s30] =	stream.linear.scatter [tilespmem:s17], [sflag:$0x2], $0x2000, $0x38;
	[tilespmem:$0x14000] =	vst v63  }
0x4f: {  	_ = 	snop  }
0x50: {  	[tilespmem:s30], [sflag:$0x1] =	stream.linear.gather [hbm4b:s9+s30], $0x8000, $0x38;
	[tilespmem:$0x14000] =	vst v63  }
0x51: {  	_ =	swait.ge [sflag:s16], $0x8000  }
0x52: {  	[sflag:s16] =	ssyncset.done $0x0  }
0x53: {  	s31 =	simm.s32 $0x0;
	[sflag:s16] =	ssyncadd.s32 $0xFFFF8000  }
0x54: {  	v63 =	vld [tilespmem:s31+$0x8000];
	_ =	sdelay $0x3  }
0x55: {  	s22 =	simm.s32 $0x12040  }
0x56: {  	[tilespmem:s22+$0xFFFFFFC0] =	vst v63  }
0x57: {  	v0 =	vld [tilespmem:s31+$0x8010];
	_ =	sdelay $0x4  }
0x58: {  	[tilespmem:s22+$0xFFFFFFD0] =	vst v0  }
0x59: {  	v0 =	vld [tilespmem:s31+$0x8080];
	_ =	sdelay $0x4  }
0x5a: {  	[tilespmem:s22+$0xFFFFFFE0] =	vst v0  }
0x5b: {  	v0 =	vld [tilespmem:s31+$0x8090];
	_ =	sdelay $0x4  }
0x5c: {  	[tilespmem:s22+$0xFFFFFFF0] =	vst v0  }
0x5d: {  	v0 =	vld [tilespmem:s31+$0x8100];
	_ =	sdelay $0x4  }
0x5e: {  	[tilespmem:s22+$0x0] =	vst v0  }
0x5f: {  	v0 =	vld [tilespmem:s31+$0x8110];
	_ =	sdelay $0x4  }
0x60: {  	[tilespmem:s22+$0x10] =	vst v0  }
0x61: {  	v0 =	vld [tilespmem:s31+$0x8180];
	_ =	sdelay $0x4  }
0x62: {  	[tilespmem:s22+$0x20] =	vst v0  }
0x63: {  	v0 =	vld [tilespmem:s31+$0x8190];
	_ =	sdelay $0x4  }
0x64: {  	s24 =	simm.s32 $0x1000;
	s23 =	simm.s32 $0x200;
	[tilespmem:s22+$0x30] =	vst v0  }
.LBB2_4:
0x65: {  	p1 =	sne.s32 s24, $0x1F800;
	v0 =	vld [tilespmem:s23+$0x8000];
	_ =	sdelay $0x3  }
0x66: {  	s22 =	sadd.s32 $0x80, s22  }
0x67: {  	[tilespmem:s22+$0xFFFFFFC0] =	vst v0  }
0x68: {  	v0 =	vld [tilespmem:s23+$0x8010];
	_ =	sdelay $0x4  }
0x69: {  	[tilespmem:s22+$0xFFFFFFD0] =	vst v0  }
0x6a: {  	v0 =	vld [tilespmem:s23+$0x8080];
	_ =	sdelay $0x4  }
0x6b: {  	[tilespmem:s22+$0xFFFFFFE0] =	vst v0  }
0x6c: {  	v0 =	vld [tilespmem:s23+$0x8090];
	_ =	sdelay $0x4  }
0x6d: {  	[tilespmem:s22+$0xFFFFFFF0] =	vst v0  }
0x6e: {  	v0 =	vld [tilespmem:s23+$0x8100];
	_ =	sdelay $0x4  }
0x6f: {  	[tilespmem:s22+$0x0] =	vst v0  }
0x70: {  	v0 =	vld [tilespmem:s23+$0x8110];
	_ =	sdelay $0x4  }
0x71: {  	[tilespmem:s22+$0x10] =	vst v0  }
0x72: {  	v0 =	vld [tilespmem:s23+$0x8180];
	_ =	sdelay $0x4  }
0x73: {  	[tilespmem:s22+$0x20] =	vst v0  }
0x74: {  	v0 =	vld [tilespmem:s23+$0x8190]  }
.Ltmp3:
0x75: {  	(pc) =	sbr.rel @p1 .LBB2_4-.Ltmp3, $2  }
0x76: {  	_ =	sdelay $0x2  }
0x77: {  	s23 =	sshra.s32 s24, $0x2;
	s24 =	sadd.s32 $0x800, s24;
	[tilespmem:s22+$0x30] =	vst v0  }
0x78: {  	v0 =	vld [tilespmem:s23+$0x8000];
	_ =	sdelay $0x3  }
0x79: {  	s22 =	sadd.s32 $0x80, s22  }
0x7a: {  	[tilespmem:s22+$0xFFFFFFC0] =	vst v0  }
0x7b: {  	v0 =	vld [tilespmem:s23+$0x8010];
	_ =	sdelay $0x4  }
0x7c: {  	[tilespmem:s22+$0xFFFFFFD0] =	vst v0  }
0x7d: {  	v0 =	vld [tilespmem:s23+$0x8080];
	_ =	sdelay $0x4  }
0x7e: {  	[tilespmem:s22+$0xFFFFFFE0] =	vst v0  }
0x7f: {  	v0 =	vld [tilespmem:s23+$0x8090];
	_ =	sdelay $0x4  }
0x80: {  	[tilespmem:s22+$0xFFFFFFF0] =	vst v0  }
0x81: {  	v0 =	vld [tilespmem:s23+$0x8100];
	_ =	sdelay $0x4  }
0x82: {  	[tilespmem:s22+$0x0] =	vst v0  }
0x83: {  	v0 =	vld [tilespmem:s23+$0x8110];
	_ =	sdelay $0x4  }
0x84: {  	[tilespmem:s22+$0x10] =	vst v0  }
0x85: {  	v0 =	vld [tilespmem:s23+$0x8180];
	_ =	sdelay $0x4  }
0x86: {  	[tilespmem:s22+$0x20] =	vst v0  }
0x87: {  	v0 =	vld [tilespmem:s23+$0x8190];
	_ =	sdelay $0x1  }
.Ltmp4:
0x88: {  	_ = 	snop;
	(pc) =	sbr.rel .LBB2_6-.Ltmp4, $3  }
0x89: {  	_ =	sdelay $0x1  }
0x8a: {  	[tilespmem:s22+$0x30] =	vst v0;
	s22 =	simm.s32 $0x1  }
0x8b: {  	[hbm4b:s10+s2] =	stream.linear.scatter [tilespmem:s18], [sflag:$0x2], $0x2000, $0x38;
	[tilespmem:$0x14000] =	vst v63  }
.LBB2_14:
0x8c: {  	s22 =	sadd.s32 $0x1, s22  }
0x8d: {  	p1 =	sne.s32 s22, $0xA0  }
.Ltmp5:
0x8e: {  	_ = 	snop;
	(pc) =	sbr.rel @!p1 .LBB2_15-.Ltmp5, $1  }
0x8f: {  	_ =	sdelay $0x3  }
.LBB2_6:
0x90: {  	s24 =	sshll.u32 s22, $0x6  }
0x91: {  	s25 =	sor.u32 s24, s5  }
0x92: {  	p2 =	sgt.u32 s25, $0x27AB  }
.Ltmp6:
0x93: {  	s23 =	sor.u32 $0x20, s25;
	(pc) =	sbr.rel @p2 .LBB2_10-.Ltmp6, $4  }
0x94: {  	p1 =	sgt.u32 s23, $0x27AB  }
0x95: {  	s26 =	sshll.u32 @!p1 s23, $0xC  }
0x96: {  	s28 =	simm.s32 @!p1 $0x0;
	s29 =	simm.s32 @!p1 $0x8000;
	s26 =	sadd.s32 @!p1 s3, s26  }
0x97: {  	[tilespmem:s29], [sflag:$0x1] =	stream.linear.gather @!p1 [hbm4b:s26+s28], $0x8000, $0x38;
	[tilespmem:$0x14000] =	vst v63  }
0x98: {  	_ =	swait.ge [sflag:s16], $0x8000  }
0x99: {  	[sflag:s16] =	ssyncset.done $0x0  }
0x9a: {  	s28 =	simm.s32 $0x0;
	[sflag:s16] =	ssyncadd.s32 $0xFFFF8000  }
0x9b: {  	v0 =	vld [tilespmem:s28+$0x0];
	_ =	sdelay $0x3  }
0x9c: {  	s26 =	simm.s32 $0x10040  }
0x9d: {  	[tilespmem:s26+$0xFFFFFFC0] =	vst v0  }
0x9e: {  	v0 =	vld [tilespmem:s28+$0x10];
	_ =	sdelay $0x4  }
0x9f: {  	[tilespmem:s26+$0xFFFFFFD0] =	vst v0  }
0xa0: {  	v0 =	vld [tilespmem:s28+$0x80];
	_ =	sdelay $0x4  }
0xa1: {  	[tilespmem:s26+$0xFFFFFFE0] =	vst v0  }
0xa2: {  	v0 =	vld [tilespmem:s28+$0x90];
	_ =	sdelay $0x4  }
0xa3: {  	[tilespmem:s26+$0xFFFFFFF0] =	vst v0  }
0xa4: {  	v0 =	vld [tilespmem:s28+$0x100];
	_ =	sdelay $0x4  }
0xa5: {  	[tilespmem:s26+$0x0] =	vst v0  }
0xa6: {  	v0 =	vld [tilespmem:s28+$0x110];
	_ =	sdelay $0x4  }
0xa7: {  	[tilespmem:s26+$0x10] =	vst v0  }
0xa8: {  	v0 =	vld [tilespmem:s28+$0x180];
	_ =	sdelay $0x4  }
0xa9: {  	[tilespmem:s26+$0x20] =	vst v0  }
0xaa: {  	v0 =	vld [tilespmem:s28+$0x190];
	_ =	sdelay $0x4  }
0xab: {  	s29 =	simm.s32 $0x1000;
	s28 =	simm.s32 $0x200;
	[tilespmem:s26+$0x30] =	vst v0  }
.LBB2_8:
0xac: {  	p2 =	sne.s32 s29, $0x1F800;
	v0 =	vld [tilespmem:s28+$0x0];
	_ =	sdelay $0x3  }
0xad: {  	s26 =	sadd.s32 $0x80, s26  }
0xae: {  	[tilespmem:s26+$0xFFFFFFC0] =	vst v0  }
0xaf: {  	v0 =	vld [tilespmem:s28+$0x10];
	_ =	sdelay $0x4  }
0xb0: {  	[tilespmem:s26+$0xFFFFFFD0] =	vst v0  }
0xb1: {  	v0 =	vld [tilespmem:s28+$0x80];
	_ =	sdelay $0x4  }
0xb2: {  	[tilespmem:s26+$0xFFFFFFE0] =	vst v0  }
0xb3: {  	v0 =	vld [tilespmem:s28+$0x90];
	_ =	sdelay $0x4  }
0xb4: {  	[tilespmem:s26+$0xFFFFFFF0] =	vst v0  }
0xb5: {  	v0 =	vld [tilespmem:s28+$0x100];
	_ =	sdelay $0x4  }
0xb6: {  	[tilespmem:s26+$0x0] =	vst v0  }
0xb7: {  	v0 =	vld [tilespmem:s28+$0x110];
	_ =	sdelay $0x4  }
0xb8: {  	[tilespmem:s26+$0x10] =	vst v0  }
0xb9: {  	v0 =	vld [tilespmem:s28+$0x180];
	_ =	sdelay $0x4  }
0xba: {  	[tilespmem:s26+$0x20] =	vst v0  }
0xbb: {  	v0 =	vld [tilespmem:s28+$0x190]  }
.Ltmp7:
0xbc: {  	(pc) =	sbr.rel @p2 .LBB2_8-.Ltmp7, $2  }
0xbd: {  	_ =	sdelay $0x2  }
0xbe: {  	s28 =	sshra.s32 s29, $0x2;
	s29 =	sadd.s32 $0x800, s29;
	[tilespmem:s26+$0x30] =	vst v0  }
0xbf: {  	v0 =	vld [tilespmem:s28+$0x0];
	_ =	sdelay $0x3  }
0xc0: {  	s26 =	sadd.s32 $0x80, s26  }
0xc1: {  	[tilespmem:s26+$0xFFFFFFC0] =	vst v0  }
0xc2: {  	v0 =	vld [tilespmem:s28+$0x10];
	_ =	sdelay $0x4  }
0xc3: {  	[tilespmem:s26+$0xFFFFFFD0] =	vst v0  }
0xc4: {  	v0 =	vld [tilespmem:s28+$0x80];
	_ =	sdelay $0x4  }
0xc5: {  	[tilespmem:s26+$0xFFFFFFE0] =	vst v0  }
0xc6: {  	v0 =	vld [tilespmem:s28+$0x90];
	_ =	sdelay $0x4  }
0xc7: {  	[tilespmem:s26+$0xFFFFFFF0] =	vst v0  }
0xc8: {  	v0 =	vld [tilespmem:s28+$0x100];
	_ =	sdelay $0x4  }
0xc9: {  	[tilespmem:s26+$0x0] =	vst v0  }
0xca: {  	v0 =	vld [tilespmem:s28+$0x110];
	_ =	sdelay $0x4  }
0xcb: {  	[tilespmem:s26+$0x10] =	vst v0  }
0xcc: {  	v0 =	vld [tilespmem:s28+$0x180];
	_ =	sdelay $0x4  }
0xcd: {  	[tilespmem:s26+$0x20] =	vst v0  }
0xce: {  	v0 =	vld [tilespmem:s28+$0x190];
	_ =	sdelay $0x4  }
0xcf: {  	[tilespmem:s26+$0x30] =	vst v0  }
0xd0: {  	_ =	swait.ge [sflag:s19], $0x2000  }
0xd1: {  	s25 =	sshll.u32 s25, $0xA;
	[sflag:s19] =	ssyncset.done $0x0  }
0xd2: {  	s25 =	sadd.s32 s4, s25;
	[sflag:s19] =	ssyncadd.s32 $0xFFFFE000  }
0xd3: {  	[hbm4b:s25+s2] =	stream.linear.scatter [tilespmem:s17], [sflag:$0x2], $0x2000, $0x38;
	[tilespmem:$0x14000] =	vst v63  }
.LBB2_10:
.Ltmp8:
0xd4: {  	s24 =	sadd.s32 s11, s24;
	(pc) =	sbr.rel @p1 .LBB2_14-.Ltmp8, $4  }
0xd5: {  	p2 =	sgt.u32 s24, $0x27AB  }
0xd6: {  	s24 =	sshll.u32 @!p2 s24, $0xC  }
0xd7: {  	s25 =	simm.s32 @!p2 $0x0;
	s24 =	sadd.s32 @!p2 s3, s24  }
0xd8: {  	[tilespmem:s25], [sflag:$0x1] =	stream.linear.gather @!p2 [hbm4b:s24+s25], $0x8000, $0x38;
	[tilespmem:$0x14000] =	vst v63  }
0xd9: {  	_ =	swait.ge [sflag:s16], $0x8000  }
0xda: {  	[sflag:s16] =	ssyncset.done $0x0  }
0xdb: {  	s25 =	simm.s32 $0x0;
	[sflag:s16] =	ssyncadd.s32 $0xFFFF8000  }
0xdc: {  	v0 =	vld [tilespmem:s25+$0x8000];
	_ =	sdelay $0x3  }
0xdd: {  	s24 =	simm.s32 $0x12040  }
0xde: {  	[tilespmem:s24+$0xFFFFFFC0] =	vst v0  }
0xdf: {  	v0 =	vld [tilespmem:s25+$0x8010];
	_ =	sdelay $0x4  }
0xe0: {  	[tilespmem:s24+$0xFFFFFFD0] =	vst v0  }
0xe1: {  	v0 =	vld [tilespmem:s25+$0x8080];
	_ =	sdelay $0x4  }
0xe2: {  	[tilespmem:s24+$0xFFFFFFE0] =	vst v0  }
0xe3: {  	v0 =	vld [tilespmem:s25+$0x8090];
	_ =	sdelay $0x4  }
0xe4: {  	[tilespmem:s24+$0xFFFFFFF0] =	vst v0  }
0xe5: {  	v0 =	vld [tilespmem:s25+$0x8100];
	_ =	sdelay $0x4  }
0xe6: {  	[tilespmem:s24+$0x0] =	vst v0  }
0xe7: {  	v0 =	vld [tilespmem:s25+$0x8110];
	_ =	sdelay $0x4  }
0xe8: {  	[tilespmem:s24+$0x10] =	vst v0  }
0xe9: {  	v0 =	vld [tilespmem:s25+$0x8180];
	_ =	sdelay $0x4  }
0xea: {  	[tilespmem:s24+$0x20] =	vst v0  }
0xeb: {  	v0 =	vld [tilespmem:s25+$0x8190];
	_ =	sdelay $0x4  }
0xec: {  	s26 =	simm.s32 $0x1000;
	s25 =	simm.s32 $0x200;
	[tilespmem:s24+$0x30] =	vst v0  }
.LBB2_12:
0xed: {  	p1 =	sne.s32 s26, $0x1F800;
	v0 =	vld [tilespmem:s25+$0x8000];
	_ =	sdelay $0x3  }
0xee: {  	s24 =	sadd.s32 $0x80, s24  }
0xef: {  	[tilespmem:s24+$0xFFFFFFC0] =	vst v0  }
0xf0: {  	v0 =	vld [tilespmem:s25+$0x8010];
	_ =	sdelay $0x4  }
0xf1: {  	[tilespmem:s24+$0xFFFFFFD0] =	vst v0  }
0xf2: {  	v0 =	vld [tilespmem:s25+$0x8080];
	_ =	sdelay $0x4  }
0xf3: {  	[tilespmem:s24+$0xFFFFFFE0] =	vst v0  }
0xf4: {  	v0 =	vld [tilespmem:s25+$0x8090];
	_ =	sdelay $0x4  }
0xf5: {  	[tilespmem:s24+$0xFFFFFFF0] =	vst v0  }
0xf6: {  	v0 =	vld [tilespmem:s25+$0x8100];
	_ =	sdelay $0x4  }
0xf7: {  	[tilespmem:s24+$0x0] =	vst v0  }
0xf8: {  	v0 =	vld [tilespmem:s25+$0x8110];
	_ =	sdelay $0x4  }
0xf9: {  	[tilespmem:s24+$0x10] =	vst v0  }
0xfa: {  	v0 =	vld [tilespmem:s25+$0x8180];
	_ =	sdelay $0x4  }
0xfb: {  	[tilespmem:s24+$0x20] =	vst v0  }
0xfc: {  	v0 =	vld [tilespmem:s25+$0x8190]  }
.Ltmp9:
0xfd: {  	(pc) =	sbr.rel @p1 .LBB2_12-.Ltmp9, $2  }
0xfe: {  	_ =	sdelay $0x2  }
0xff: {  	s25 =	sshra.s32 s26, $0x2;
	s26 =	sadd.s32 $0x800, s26;
	[tilespmem:s24+$0x30] =	vst v0  }
0x100: {  	v0 =	vld [tilespmem:s25+$0x8000];
	_ =	sdelay $0x3  }
0x101: {  	s24 =	sadd.s32 $0x80, s24  }
0x102: {  	[tilespmem:s24+$0xFFFFFFC0] =	vst v0  }
0x103: {  	v0 =	vld [tilespmem:s25+$0x8010];
	_ =	sdelay $0x4  }
0x104: {  	[tilespmem:s24+$0xFFFFFFD0] =	vst v0  }
0x105: {  	v0 =	vld [tilespmem:s25+$0x8080];
	_ =	sdelay $0x4  }
0x106: {  	[tilespmem:s24+$0xFFFFFFE0] =	vst v0  }
0x107: {  	v0 =	vld [tilespmem:s25+$0x8090];
	_ =	sdelay $0x4  }
0x108: {  	[tilespmem:s24+$0xFFFFFFF0] =	vst v0  }
0x109: {  	v0 =	vld [tilespmem:s25+$0x8100];
	_ =	sdelay $0x4  }
0x10a: {  	[tilespmem:s24+$0x0] =	vst v0  }
0x10b: {  	v0 =	vld [tilespmem:s25+$0x8110];
	_ =	sdelay $0x4  }
0x10c: {  	[tilespmem:s24+$0x10] =	vst v0  }
0x10d: {  	v0 =	vld [tilespmem:s25+$0x8180];
	_ =	sdelay $0x4  }
0x10e: {  	[tilespmem:s24+$0x20] =	vst v0  }
0x10f: {  	v0 =	vld [tilespmem:s25+$0x8190];
	_ =	sdelay $0x4  }
.Ltmp10:
0x110: {  	[tilespmem:s24+$0x30] =	vst v0;
	(pc) =	sbr.rel .LBB2_14-.Ltmp10, $4  }
0x111: {  	_ =	swait.ge [sflag:s19], $0x2000  }
0x112: {  	s23 =	sshll.u32 s23, $0xA;
	[sflag:s19] =	ssyncset.done $0x0  }
0x113: {  	s23 =	sadd.s32 s4, s23;
	[sflag:s19] =	ssyncadd.s32 $0xFFFFE000  }
0x114: {  	[hbm4b:s23+s2] =	stream.linear.scatter [tilespmem:s18], [sflag:$0x2], $0x2000, $0x38;
	[tilespmem:$0x14000] =	vst v63  }
.LBB2_15:
0x115: {  	_ =	swait.ge [sflag:s19], $0x2000  }
.Ltmp11:
0x116: {  	[sflag:s19] =	ssyncset.done $0x0;
	(pc) =	sbr.rel @p0 .LBB2_19-.Ltmp11, $4  }
0x117: {  	[sflag:s19] =	ssyncadd.s32 $0xFFFFE000  }
0x118: {  	_ =	swait.ge [sflag:s19], $0x2000  }
0x119: {  	[sflag:s19] =	ssyncset.done $0x0  }
0x11a: {  	[sflag:s19] =	ssyncadd.s32 $0xFFFFE000  }
0x11b: {  	s22 =	simm.s32 $0x0  }
0x11c: {  	[tilespmem:s22], [sflag:$0x3] =	stream.linear.gather [hbm4b:s12+s22], $0x2000, $0x38;
	[tilespmem:$0x14000] =	vst v63  }
0x11d: {  	_ =	swait.ge [sflag:s20], $0x2000  }
0x11e: {  	[sflag:s20] =	ssyncset.done $0x0  }
0x11f: {  	s23 =	simm.s32 $0x0;
	[sflag:s20] =	ssyncadd.s32 $0xFFFFE000  }
0x120: {  	v0 =	vld [tilespmem:s23+$0x0];
	_ =	sdelay $0x3  }
0x121: {  	s22 =	simm.s32 $0x10040  }
0x122: {  	[tilespmem:s22+$0xFFFFFFC0] =	vst v0  }
0x123: {  	v0 =	vld [tilespmem:s23+$0x10];
	_ =	sdelay $0x4  }
0x124: {  	[tilespmem:s22+$0xFFFFFFD0] =	vst v0  }
0x125: {  	v0 =	vld [tilespmem:s23+$0x80];
	_ =	sdelay $0x4  }
0x126: {  	[tilespmem:s22+$0xFFFFFFE0] =	vst v0  }
0x127: {  	v0 =	vld [tilespmem:s23+$0x90];
	_ =	sdelay $0x4  }
0x128: {  	[tilespmem:s22+$0xFFFFFFF0] =	vst v0  }
0x129: {  	v0 =	vld [tilespmem:s23+$0x100];
	_ =	sdelay $0x4  }
0x12a: {  	[tilespmem:s22+$0x0] =	vst v0  }
0x12b: {  	v0 =	vld [tilespmem:s23+$0x110];
	_ =	sdelay $0x4  }
0x12c: {  	[tilespmem:s22+$0x10] =	vst v0  }
0x12d: {  	v0 =	vld [tilespmem:s23+$0x180];
	_ =	sdelay $0x4  }
0x12e: {  	[tilespmem:s22+$0x20] =	vst v0  }
0x12f: {  	v0 =	vld [tilespmem:s23+$0x190];
	_ =	sdelay $0x4  }
0x130: {  	s24 =	simm.s32 $0x1000;
	s23 =	simm.s32 $0x200;
	[tilespmem:s22+$0x30] =	vst v0  }
.LBB2_17:
0x131: {  	p1 =	sne.s32 s24, $0x7800;
	v0 =	vld [tilespmem:s23+$0x0];
	_ =	sdelay $0x3  }
0x132: {  	s22 =	sadd.s32 $0x80, s22  }
0x133: {  	[tilespmem:s22+$0xFFFFFFC0] =	vst v0  }
0x134: {  	v0 =	vld [tilespmem:s23+$0x10];
	_ =	sdelay $0x4  }
0x135: {  	[tilespmem:s22+$0xFFFFFFD0] =	vst v0  }
0x136: {  	v0 =	vld [tilespmem:s23+$0x80];
	_ =	sdelay $0x4  }
0x137: {  	[tilespmem:s22+$0xFFFFFFE0] =	vst v0  }
0x138: {  	v0 =	vld [tilespmem:s23+$0x90];
	_ =	sdelay $0x4  }
0x139: {  	[tilespmem:s22+$0xFFFFFFF0] =	vst v0  }
0x13a: {  	v0 =	vld [tilespmem:s23+$0x100];
	_ =	sdelay $0x4  }
0x13b: {  	[tilespmem:s22+$0x0] =	vst v0  }
0x13c: {  	v0 =	vld [tilespmem:s23+$0x110];
	_ =	sdelay $0x4  }
0x13d: {  	[tilespmem:s22+$0x10] =	vst v0  }
0x13e: {  	v0 =	vld [tilespmem:s23+$0x180];
	_ =	sdelay $0x4  }
0x13f: {  	[tilespmem:s22+$0x20] =	vst v0  }
0x140: {  	v0 =	vld [tilespmem:s23+$0x190]  }
.Ltmp12:
0x141: {  	(pc) =	sbr.rel @p1 .LBB2_17-.Ltmp12, $2  }
0x142: {  	_ =	sdelay $0x2  }
0x143: {  	s23 =	sshra.s32 s24, $0x2;
	s24 =	sadd.s32 $0x800, s24;
	[tilespmem:s22+$0x30] =	vst v0  }
0x144: {  	v0 =	vld [tilespmem:s23+$0x0];
	_ =	sdelay $0x3  }
0x145: {  	s22 =	sadd.s32 $0x80, s22  }
0x146: {  	[tilespmem:s22+$0xFFFFFFC0] =	vst v0  }
0x147: {  	v0 =	vld [tilespmem:s23+$0x10];
	_ =	sdelay $0x4  }
0x148: {  	[tilespmem:s22+$0xFFFFFFD0] =	vst v0  }
0x149: {  	v0 =	vld [tilespmem:s23+$0x80];
	_ =	sdelay $0x4  }
0x14a: {  	[tilespmem:s22+$0xFFFFFFE0] =	vst v0  }
0x14b: {  	v0 =	vld [tilespmem:s23+$0x90];
	_ =	sdelay $0x4  }
0x14c: {  	[tilespmem:s22+$0xFFFFFFF0] =	vst v0  }
0x14d: {  	v0 =	vld [tilespmem:s23+$0x100];
	_ =	sdelay $0x4  }
0x14e: {  	[tilespmem:s22+$0x0] =	vst v0  }
0x14f: {  	v0 =	vld [tilespmem:s23+$0x110];
	_ =	sdelay $0x4  }
0x150: {  	[tilespmem:s22+$0x10] =	vst v0  }
0x151: {  	v0 =	vld [tilespmem:s23+$0x180];
	_ =	sdelay $0x4  }
0x152: {  	[tilespmem:s22+$0x20] =	vst v0  }
0x153: {  	v0 =	vld [tilespmem:s23+$0x190];
	_ =	sdelay $0x4  }
.Ltmp13:
0x154: {  	[tilespmem:s22+$0x30] =	vst v0;
	(pc) =	sbr.rel .LBB2_19-.Ltmp13, $4  }
0x155: {  	[hbm4b:s13+s2] =	stream.linear.scatter [tilespmem:s17], [sflag:$0x3], $0x800, $0x38;
	[tilespmem:$0x14000] =	vst v63  }
0x156: {  	_ =	swait.ge [sflag:s20], $0x800  }
0x157: {  	[sflag:s20] =	ssyncset.done $0x0  }
0x158: {  	[sflag:s20] =	ssyncadd.s32 $0xFFFFF800  }
.LBB2_20:
0x159: {  	_ =	sfence.sel $0x180000  }
0x15a: {  	[bflag:$0x0] =	sbarrier.arrive $0xFFFF  }
0x15b: {  	p0 =	sne.s32 s1, $0x0;
	_ =	strace $0x90000047  }
0x15c: {  	s0 =	sadd.s32 @!p0 $0x100000, s0;
	[bflag:$0x2] =	sbarrier.arrive $0xFFFF  }
0x15d: {  	[sflag:s0] =	ssyncadd.tile.s32 @!p0 $0x1;
	_ =	shalt  }
.Lfunc_end2:
_tile_overlayer_lowered:
.L_overlay_start_2:
0x15e: {  	(tag) =	ssettag $0x2  }
0x15f: {  	s0 =	rddreg [dreg:$0x0];
	s2 =	stileid.u32  }
0x160: {  	s1 =	rddreg [dreg:$0x1];
	p0 =	sne.s32 s2, $0x0  }
0x161: {  	s3 =	rddreg [dreg:$0x2];
	[bflag:$0x3] =	sbarrier.arrive $0xFFFF;
	s2 =	simm.s32 @!p0 $0x1C03  }
0x162: {  	[timem:s3], [sflag:s2] =	dma.local @!p0 [hbm:s0], s1  }
0x163: {  	s0 =	simm.s32 @!p0 $0x3  }
0x164: {  	_ =	swait.ge @!p0 [sflag:s0], s1  }
0x165: {  	s1 =	ssub.s32 @!p0 $0x0, s1;
	[sflag:s0] =	ssyncset.done @!p0 $0x0  }
0x166: {  	[sflag:s0] =	ssyncadd.s32 @!p0 s1  }
0x167: {  	[bflag:$0x3] =	sbarrier.arrive $0xFFFF  }
0x168: {  	_ =	shalt  }

// kernel: kernel.8.cloned.1.call-start
scs
__scs_entry_jumppad:
0x0: {  	(pc) =	sbr.rel $0x88, $3  }
0x1: {  	(tag) =	ssettag $0x0;
	lr =	simm.s32 $0x1  }
0x2: {  	[smem:$0x3F8E] =	sst lr;
	_ =	strace $0xD0000000  }
0x3: {  	_ = 	snop  }
0x4: {  	_ = 	snop  }
0x5: {  	_ = 	snop  }
0x6: {  	_ = 	snop  }
0x7: {  	_ = 	snop  }
__scs_overlays_trampoline_lowered:
0x8: {  	[smem:$0x3F9D] =	sst s0  }
0x9: {  	[smem:$0x3F9E] =	sst s1  }
0xa: {  	[smem:$0x3F9F] =	sst s2  }
0xb: {  	[smem:$0x3FA0] =	sst s3  }
0xc: {  	[smem:$0x3FA1] =	sst s4  }
0xd: {  	[smem:$0x3FA2] =	sst s5  }
0xe: {  	[smem:$0x3FA3] =	sst s6  }
0xf: {  	[smem:$0x3FA4] =	sst s7  }
0x10: {  	[smem:$0x3FA5] =	sst s8  }
0x11: {  	[smem:$0x3FA6] =	sst s9;
	s0 =	simm.s32 @!p0 $0x0  }
0x12: {  	s1 =	sld [smem:$0x3F8C];
	s0 =	simm.s32 @p0 $0x1  }
0x13: {  	[smem:$0x3FA7] =	sst s0;
	s0 =	simm.s32 @!p1 $0x0  }
0x14: {  	s2 =	sld [smem:$0x3F8B];
	s0 =	simm.s32 @p1 $0x1  }
0x15: {  	[smem:$0x3FA8] =	sst s0;
	s0 =	simm.s32 @!p2 $0x0  }
0x16: {  	s3 =	sld [smem:$0x3FDB];
	s0 =	simm.s32 @p2 $0x1  }
0x17: {  	s4 =	simm.s32 $0x1BF5;
	[smem:$0x3FAA] =	sst s0  }
0x18: {  	s0 =	sld [smem:$0x3F8D];
	_ =	swait.ge [sflag:s4], $0x0  }
0x19: {  	s7 =	sld [smem:$0x3F8E]  }
0x1a: {  	s8 =	sadd.s32 $0xFFFFE003, lr  }
0x1b: {  	s9 =	sadd.s32 $0xFFFFFEF7, lr;
	s5 =	simm.s32 $0xFFFFFFFF;
	p2 =	slt.u32 s8, $0xFFFFF086  }
0x1c: {  	p1 =	slt.u32 s9, $0xF7A;
	s5 =	simm.s32 @!p2 $0x0  }
0x1d: {  	s5 =	simm.s32 @p1 $0x1;
	p0 =	seq.s32 s7, s2  }
0x1e: {  	s7 =	smul.u32 @!p0 $0xF7A, s2;
	p2 =	seq.s32 @!p0 s5, $0x0  }
0x1f: {  	s9 =	smul.u32 $0xF7A, s1;
	s8 =	simm.s32 @!p0 $0x1BF5;
	p2 =	por !p2, p0  }
0x20: {  	[sflag:s8] =	ssyncset.s32 @!p0 $0xFFFFF086;
	s6 =	sadd.s32 @!p0 s3, s7;
	s7 =	simm.s32 @!p0 $0x108  }
0x21: {  	s3 =	sadd.s32 s3, s9;
	s6 =	sadd.s32 @!p0 $0x88, s6;
	s7 =	simm.s32 @p2 $0x1082  }
0x22: {  	[simem:s7], [sflag:s8] =	dma.local @!p0 [hbm:s6], $0xF7A  }
0x23: {  	s9 =	sor.u32 $0xD0000000, s2;
	s6 =	simm.s32 $0x108;
	_ =	swait.ge @!p0 [sflag:s8], $0x0  }
0x24: {  	s3 =	sadd.s32 $0x88, s3;
	s6 =	simm.s32 @!p1 $0x1082;
	[sflag:s4] =	ssyncset.s32 $0xFFFFF086  }
0x25: {  	[simem:s6], [sflag:s4] =	dma.local [hbm:s3], $0xF7A  }
0x26: {  	[smem:$0x3F8E] =	sst s1;
	(tag) =	ssettag s2;
	_ =	strace s9  }
0x27: {  	s1 =	sld [smem:$0x3F9E]  }
0x28: {  	s2 =	sld [smem:$0x3F9F]  }
0x29: {  	s4 =	sld [smem:$0x3FA1]  }
0x2a: {  	p0 =	seq.s32 s5, $0x0;
	s5 =	sld [smem:$0x3FA2]  }
0x2b: {  	s6 =	sld [smem:$0x3FA3]  }
0x2c: {  	s7 =	sld [smem:$0x3FA4]  }
0x2d: {  	s3 =	simm.s32 $0x108;
	s8 =	sld [smem:$0x3FA5]  }
0x2e: {  	s3 =	simm.s32 @!p0 $0x1082;
	s9 =	sld [smem:$0x3FA6]  }
0x2f: {  	lr =	sadd.s32 s0, s3;
	s0 =	sld [smem:$0x3F9D]  }
0x30: {  	s3 =	sld [smem:$0x3FA0]  }
0x31: {  	[smem:$0x3FA9] =	sst s10  }
0x32: {  	s10 =	sld [smem:$0x3FA7];
	_ =	sdelay $0x3  }
0x33: {  	p0 =	seq.s32 s10, $0x1;
	s10 =	sld [smem:$0x3FA9];
	_ =	sdelay $0x3  }
0x34: {  	[smem:$0x3FA9] =	sst s10  }
0x35: {  	s10 =	sld [smem:$0x3FA8];
	_ =	sdelay $0x3  }
0x36: {  	p1 =	seq.s32 s10, $0x1;
	s10 =	sld [smem:$0x3FA9];
	_ =	sdelay $0x3  }
0x37: {  	[smem:$0x3FA9] =	sst s10  }
0x38: {  	s10 =	sld [smem:$0x3FAA]  }
0x39: {  	_ = 	snop;
	(pc) =	sbr.ind lr, $3  }
0x3a: {  	_ = 	snop  }
0x3b: {  	_ = 	snop  }
0x3c: {  	p2 =	seq.s32 s10, $0x1;
	s10 =	sld [smem:$0x3FA9]  }
0x3d: {  	_ =	shalt  }
0x3e: {  	_ =	shalt  }
0x3f: {  	_ =	shalt  }
0x40: {  	_ =	shalt  }
0x41: {  	_ =	shalt  }
0x42: {  	_ =	shalt  }
0x43: {  	_ =	shalt  }
0x44: {  	_ =	shalt  }
0x45: {  	_ =	shalt  }
0x46: {  	_ =	shalt  }
0x47: {  	_ =	shalt  }
0x48: {  	_ =	shalt  }
0x49: {  	_ =	shalt  }
0x4a: {  	_ =	shalt  }
0x4b: {  	_ =	shalt  }
0x4c: {  	_ =	shalt  }
0x4d: {  	_ =	shalt  }
0x4e: {  	_ =	shalt  }
0x4f: {  	_ =	shalt  }
0x50: {  	_ =	shalt  }
0x51: {  	_ =	shalt  }
0x52: {  	_ =	shalt  }
0x53: {  	_ =	shalt  }
0x54: {  	_ =	shalt  }
0x55: {  	_ =	shalt  }
0x56: {  	_ =	shalt  }
0x57: {  	_ =	shalt  }
0x58: {  	_ =	shalt  }
0x59: {  	_ =	shalt  }
0x5a: {  	_ =	shalt  }
0x5b: {  	_ =	shalt  }
0x5c: {  	_ =	shalt  }
0x5d: {  	_ =	shalt  }
0x5e: {  	_ =	shalt  }
0x5f: {  	_ =	shalt  }
0x60: {  	_ =	shalt  }
0x61: {  	_ =	shalt  }
0x62: {  	_ =	shalt  }
0x63: {  	_ =	shalt  }
0x64: {  	_ =	shalt  }
0x65: {  	_ =	shalt  }
0x66: {  	_ =	shalt  }
0x67: {  	_ =	shalt  }
0x68: {  	_ =	shalt  }
0x69: {  	_ =	shalt  }
0x6a: {  	_ =	shalt  }
0x6b: {  	_ =	shalt  }
0x6c: {  	_ =	shalt  }
0x6d: {  	_ =	shalt  }
0x6e: {  	_ =	shalt  }
0x6f: {  	_ =	shalt  }
0x70: {  	_ =	shalt  }
0x71: {  	_ =	shalt  }
0x72: {  	_ =	shalt  }
0x73: {  	_ =	shalt  }
0x74: {  	_ =	shalt  }
0x75: {  	_ =	shalt  }
0x76: {  	_ =	shalt  }
0x77: {  	_ =	shalt  }
0x78: {  	_ =	shalt  }
0x79: {  	_ =	shalt  }
0x7a: {  	_ =	shalt  }
0x7b: {  	_ =	shalt  }
0x7c: {  	_ =	shalt  }
0x7d: {  	_ =	shalt  }
0x7e: {  	_ =	shalt  }
0x7f: {  	_ =	shalt  }
0x80: {  	_ =	shalt  }
0x81: {  	_ =	shalt  }
0x82: {  	_ =	shalt  }
0x83: {  	_ =	shalt  }
0x84: {  	_ =	shalt  }
0x85: {  	_ =	shalt  }
0x86: {  	_ =	shalt  }
0x87: {  	_ =	shalt  }
.Lfunc_end0:
.L_simem_size_0:
called_computation.1_lowered:
.L_overlay_start_0:
0x88: {  	s2 =	sld [smem:$0x3FD9]  }
0x89: {  	s3 =	sld [smem:$0x3FFE];
	_ =	sdelay $0x1  }
0x8a: {  	s1 =	srdreg.scid  }
0x8b: {  	s0 =	sand.u32 $0x1, s1  }
0x8c: {  	s16 =	sshll.u32 s0, $0xA;
	s2 =	sadd.s32 s3, s2  }
0x8d: {  	s2 =	sadd.s32 s2, s16  }
0x8e: {  	[smem:$0x3FB5] =	sst s2  }
0x8f: {  	_ = 	snop  }
0x90: {  	(tm) =	ssettm $0x1  }
0x91: {  	s17 =	sld [smem:$0x3FFB];
	_ =	sdelay $0x3  }
0x92: {  	_ =	strace s17  }
0x93: {  	s2 =	sld [smem:$0x3FFC];
	_ =	sdelay $0x3  }
0x94: {  	_ =	strace s2  }
0x95: {  	s2 =	sld [smem:$0x3FFD];
	_ =	sdelay $0x3  }
0x96: {  	_ =	strace s2  }
0x97: {  	_ =	strace $0x8FFFFFFF  }
0x98: {  	s18 =	sld [smem:$0x3FDB];
	_ =	sdelay $0x1  }
0x99: {  	s19 =	simm.s32 $_scs_section_size  }
0x9a: {  	s4 =	simm.s32 $_size__tile_overlayer_lowered;
	s5 =	simm.s32 $_tile_overlayer_lowered  }
0x9b: {  	s22 =	simm.s32 $0x1BFF;
	s21 =	sshll.u32 s5, $0x1;
	s2 =	sadd.s32 s19, s18  }
0x9c: {  	s6 =	simm.s32 $0x0;
	s20 =	sshll.u32 s4, $0x1;
	s4 =	sadd.s32 s21, s2  }
0x9d: {  	[timem:s6], [sflag:s22] =	dma.local [hbm:s4], s20  }
0x9e: {  	_ =	swait.ge [sflag:s22], s20  }
0x9f: {  	s3 =	ssub.s32 $0x0, s20;
	[sflag:s22] =	ssyncset.done $0x0  }
0xa0: {  	[sflag:s22] =	ssyncadd.s32 s3;
	_ =	sdelay $0x1  }
0xa1: {  	s23 =	simm.s32 $0x1B8B  }
0xa2: {  	_ =	swait.ge [sflag:s23], $0x1  }
0xa3: {  	[sflag:s23] =	ssyncset.done $0x0  }
0xa4: {  	s25 =	simm.s32 $0x1B8E;
	s24 =	sld [smem:$0x3FFE];
	[sflag:s23] =	ssyncadd.s32 $0xFFFFFFFF  }
0xa5: {  	s26 =	simm.s32 $execute0_lowered;
	[smem:$0x3FD2] =	sst s25  }
0xa6: {  	s4 =	sshll.u32 s26, $0x1;
	_ =	strace $0x80000049;
	[dreg:$0x1] =	wrdreg $0xFFFFFFFF  }
0xa7: {  	s28 =	simm.s32 $_size_execute0_lowered;
	s2 =	sadd.s32 s2, s4;
	[dreg:$0x0] =	wrdreg $0x0  }
0xa8: {  	s4 =	sshll.u32 s28, $0x1;
	[dreg:$0x2] =	wrdreg s2  }
0xa9: {  	[dreg:$0x3] =	wrdreg s4  }
0xaa: {  	[dreg:$0x4] =	wrdreg $0xC0  }
0xab: {  	_ =	task [dreg:s6], $0x5FFFF  }
0xac: {  	[dreg:$0x1] =	wrdreg $0xFFFFFFFF  }
0xad: {  	[dreg:$0x0] =	wrdreg $0x60  }
0xae: {  	[dreg:$0x2] =	wrdreg s24  }
0xaf: {  	[dreg:$0x3] =	wrdreg $0x9  }
0xb0: {  	_ =	task.clear_ibuf [dreg:s6], $0x4FFFF;
	_ =	strace $0x90000049  }
0xb1: {  	s29 =	simm.s32 $0x9;
	_ =	strace $0x8000004B  }
0xb2: {  	_ =	swait.ge [sflag:s29], $0x1  }
0xb3: {  	[sflag:s29] =	ssyncadd.s32 $0xFFFFFFFF  }
0xb4: {  	_ =	strace $0x9000004B  }
0xb5: {  	_ =	sfence  }
0xb6: {  	s30 =	sld [smem:$0x0];
	_ =	sdelay $0x2  }
0xb7: {  	s31 =	sshll.u32 s1, $0xD;
	s1 =	sshrl.u32 s1, $0x2  }
0xb8: {  	s3 =	sand.u32 $0x4000, s31;
	s1 =	sadd.s32 s1, s30  }
0xb9: {  	s0 =	sor.u32 s3, s0;
	s1 =	sshll.u32 s1, $0x11  }
0xba: {  	s0 =	sor.u32 s1, s0  }
0xbb: {  	s0 =	sadd.s32 $0x8F2B, s0  }
0xbc: {  	[sflag:s0] =	ssyncadd.remote.s32 $0x1  }
0xbd: {  	_ =	sfence.sel $0xFFFF  }
0xbe: {  	[dreg:$0x0] =	wrdreg $0xFFFFFFFF;
	(pc) =	sbr.abs _section_cstart, $3  }
0xbf: {  	[dreg:$0x1] =	wrdreg $0xFFFFFFFF  }
0xc0: {  	_ =	task.clear_ibuf [dreg:s6], $0x2FFFF;
	_ =	strace $0x9FFFFFFF  }
0xc1: {  	(tm) =	ssettm $0x7FFFFFFF  }
tec
execute0_lowered:
.L_overlay_start_1:
0x0: {  	(tag) =	ssettag $0x1  }
0x1: {  	s4 =	rddreg [dreg:$0x0]  }
0x2: {  	s0 =	rddreg [dreg:$0x1];
	s2 =	simm.s32 $0x0;
	s3 =	srdreg.scid  }
0x3: {  	s1 =	stileid.u32;
	s12 =	simm.s32 $0x80;
	s13 =	simm.s32 $0x5000  }
0x4: {  	s14 =	simm.s32 $0x1;
	s15 =	simm.s32 $0x3;
	s16 =	simm.s32 $0xC80  }
0x5: {  	s17 =	simm.s32 $0x0;
	[smem:$0x7FF] =	sst s2;
	s5 =	sand.u32 $0x1, s3  }
0x6: {  	s25 =	sshll.u32 s1, $0x1;
	s3 =	sadd.s32 $0x27AF200, s4;
	s9 =	smul.u32 $0xD0000, s1  }
0x7: {  	s10 =	sadd.s32 $0x2E00, s4;
	_ =	strace $0x8000004A;
	s6 =	sor.u32 s5, s25  }
0x8: {  	s8 =	ssub.s32 $0x2, s5;
	s11 =	smul.u32 $0x68000, s5;
	s7 =	sshll.u32 s6, $0x9  }
0x9: {  	s6 =	smul.u32 $0x68000, s6;
	s26 =	sshrl.u32 s8, $0x1;
	s7 =	sadd.s32 s7, s4  }
0xa: {  	s28 =	ssub.s32 s8, s26;
	s30 =	sadd.s32 s11, s9;
	s4 =	sadd.s32 $0x31AA400, s7  }
0xb: {  	s6 =	sshrl.u32 s6, $0x3;
	s5 =	smax.u32 s28, $0x1;
	s9 =	sshrl.u32 s30, $0x3  }
0xc: {  	s11 =	sor.u32 $0x4000, s30;
	s29 =	sadd.s32 s10, s6;
	s8 =	sadd.s32 s9, s10  }
0xd: {  	s31 =	sshrl.u32 s11, $0x3;
	s11 =	simm.s32 $0x1000;
	s6 =	sadd.s32 $0xC000, s29  }
0xe: {  	s7 =	sadd.s32 $0xC800, s29;
	s9 =	sadd.s32 s31, s10;
	s10 =	simm.s32 $0x2  }
.LBB2_1:
0xf: {  	[tilespmem:s2], [sflag:$0x2] =	stream.linear.gather [hbm4b:s4+s2], $0xD00, $0x38;
	[tilespmem:$0x9000] =	vst v63  }
0x10: {  	_ =	swait.ge [sflag:s10], $0xD00  }
0x11: {  	[sflag:s10] =	ssyncset.done $0x0  }
0x12: {  	[sflag:s10] =	ssyncadd.s32 $0xFFFFF300  }
0x13: {  	[tilespmem:s11], [sflag:$0x1] =	stream.indirect.gather [hbm4b:s3+s12], $0x80, s2, s12, $0xb8;
	[tilespmem:$0x9000] =	vst v63  }
0x14: {  	_ = 	snop  }
0x15: {  	[tilespmem:s13], [sflag:$0x1] =	stream.indirect.gather [hbm4b:s3+s12], $0x80, s12, s12, $0xb8;
	[tilespmem:$0x9000] =	vst v63  }
0x16: {  	_ =	swait.ge [sflag:s14], $0x4000  }
0x17: {  	[sflag:s14] =	ssyncset.done $0x0  }
0x18: {  	s18 =	sadd.s32 $0x0, s8;
	[sflag:s14] =	ssyncadd.s32 $0xFFFFC000  }
0x19: {  	[hbm4b:s18+s2] =	stream.linear.scatter [tilespmem:s11], [sflag:$0x3], $0x4000, $0x38;
	[tilespmem:$0x9000] =	vst v63  }
0x1a: {  	_ =	swait.ge [sflag:s15], $0x4000  }
0x1b: {  	[sflag:s15] =	ssyncset.done $0x0  }
0x1c: {  	s30 =	simm.s32 $0x100;
	[sflag:s15] =	ssyncadd.s32 $0xFFFFC000  }
0x1d: {  	[tilespmem:s11], [sflag:$0x1] =	stream.indirect.gather [hbm4b:s3+s12], $0x80, s30, s12, $0xb8;
	[tilespmem:$0x9000] =	vst v63  }
0x1e: {  	_ =	swait.ge [sflag:s14], $0x4000  }
0x1f: {  	[sflag:s14] =	ssyncset.done $0x0  }
0x20: {  	s31 =	sadd.s32 $0x0, s9;
	[sflag:s14] =	ssyncadd.s32 $0xFFFFC000  }
0x21: {  	[hbm4b:s31+s2] =	stream.linear.scatter [tilespmem:s13], [sflag:$0x2], $0x4000, $0x38;
	[tilespmem:$0x9000] =	vst v63  }
0x22: {  	_ =	swait.ge [sflag:s10], $0x4000  }
0x23: {  	s19 =	simm.s32 $0x80;
	s18 =	simm.s32 $0x1000;
	[sflag:s10] =	ssyncset.done $0x0  }
.LBB2_2:
0x24: {  	p0 =	sne.s32 s18, $0xB000;
	[sflag:s10] =	ssyncadd.s32 $0xFFFFC000;
	s19 =	sadd.s32 $0x100, s19  }
0x25: {  	[tilespmem:s13], [sflag:$0x1] =	stream.indirect.gather [hbm4b:s3+s12], $0x80, s19, s12, $0xb8;
	[tilespmem:$0x9000] =	vst v63  }
0x26: {  	s20 =	smov.u32 s18;
	s18 =	sadd.s32 $0x1000, s18;
	_ =	swait.ge [sflag:s14], $0x4000  }
0x27: {  	[sflag:s14] =	ssyncset.done $0x0  }
0x28: {  	s21 =	sadd.s32 s20, s8;
	[sflag:s14] =	ssyncadd.s32 $0xFFFFC000  }
0x29: {  	[hbm4b:s21+s2] =	stream.linear.scatter [tilespmem:s11], [sflag:$0x3], $0x4000, $0x38;
	[tilespmem:$0x9000] =	vst v63  }
0x2a: {  	_ =	swait.ge [sflag:s15], $0x4000  }
0x2b: {  	[sflag:s15] =	ssyncset.done $0x0  }
0x2c: {  	s21 =	sadd.s32 $0x80, s19;
	[sflag:s15] =	ssyncadd.s32 $0xFFFFC000  }
0x2d: {  	[tilespmem:s11], [sflag:$0x1] =	stream.indirect.gather [hbm4b:s3+s12], $0x80, s21, s12, $0xb8;
	[tilespmem:$0x9000] =	vst v63  }
0x2e: {  	_ =	swait.ge [sflag:s14], $0x4000  }
.Ltmp0:
0x2f: {  	[sflag:s14] =	ssyncset.done $0x0;
	(pc) =	sbr.rel @p0 .LBB2_2-.Ltmp0, $4  }
0x30: {  	s20 =	sadd.s32 s20, s9;
	[sflag:s14] =	ssyncadd.s32 $0xFFFFC000  }
0x31: {  	[hbm4b:s20+s2] =	stream.linear.scatter [tilespmem:s13], [sflag:$0x2], $0x4000, $0x38;
	[tilespmem:$0x9000] =	vst v63  }
0x32: {  	_ =	swait.ge [sflag:s10], $0x4000  }
0x33: {  	[sflag:s10] =	ssyncset.done $0x0  }
0x34: {  	[sflag:s10] =	ssyncadd.s32 $0xFFFFC000  }
0x35: {  	[tilespmem:s13], [sflag:$0x1] =	stream.indirect.gather [hbm4b:s3+s12], $0x80, s16, s12, $0xb8;
	[tilespmem:$0x9000] =	vst v63  }
0x36: {  	_ =	swait.ge [sflag:s14], $0x4000  }
0x37: {  	[sflag:s14] =	ssyncset.done $0x0  }
0x38: {  	[sflag:s14] =	ssyncadd.s32 $0xFFFFC000  }
0x39: {  	[hbm4b:s6+s2] =	stream.linear.scatter [tilespmem:s11], [sflag:$0x3], $0x4000, $0x38;
	[tilespmem:$0x9000] =	vst v63  }
0x3a: {  	_ =	swait.ge [sflag:s15], $0x4000  }
0x3b: {  	[sflag:s15] =	ssyncset.done $0x0  }
0x3c: {  	[sflag:s15] =	ssyncadd.s32 $0xFFFFC000  }
0x3d: {  	s17 =	sadd.s32 $0x1, s17;
	_ =	swait.ge [sflag:s14], $0x4000  }
0x3e: {  	p0 =	sne.s32 s17, s5;
	[sflag:s14] =	ssyncset.done $0x0  }
.Ltmp1:
0x3f: {  	[sflag:s14] =	ssyncadd.s32 $0xFFFFC000;
	(pc) =	sbr.rel @p0 .LBB2_1-.Ltmp1, $4  }
0x40: {  	[hbm4b:s7+s2] =	stream.linear.scatter [tilespmem:s13], [sflag:$0x2], $0x4000, $0x38;
	[tilespmem:$0x9000] =	vst v63  }
0x41: {  	_ =	swait.ge [sflag:s10], $0x4000  }
0x42: {  	[sflag:s10] =	ssyncset.done $0x0  }
0x43: {  	[sflag:s10] =	ssyncadd.s32 $0xFFFFC000  }
0x44: {  	_ =	sfence.sel $0x180000  }
0x45: {  	[bflag:$0x0] =	sbarrier.arrive $0xFFFF  }
0x46: {  	p0 =	sne.s32 s1, $0x0;
	_ =	strace $0x9000004A  }
0x47: {  	s0 =	sadd.s32 @!p0 $0x100000, s0;
	[bflag:$0x2] =	sbarrier.arrive $0xFFFF  }
0x48: {  	[sflag:s0] =	ssyncadd.tile.s32 @!p0 $0x1;
	_ =	shalt  }
.Lfunc_end2:
_tile_overlayer_lowered:
.L_overlay_start_2:
0x49: {  	(tag) =	ssettag $0x2  }
0x4a: {  	s0 =	rddreg [dreg:$0x0];
	s2 =	stileid.u32  }
0x4b: {  	s1 =	rddreg [dreg:$0x1];
	p0 =	sne.s32 s2, $0x0  }
0x4c: {  	s3 =	rddreg [dreg:$0x2];
	[bflag:$0x3] =	sbarrier.arrive $0xFFFF;
	s2 =	simm.s32 @!p0 $0x1C02  }
0x4d: {  	[timem:s3], [sflag:s2] =	dma.local @!p0 [hbm:s0], s1  }
0x4e: {  	s0 =	simm.s32 @!p0 $0x2  }
0x4f: {  	_ =	swait.ge @!p0 [sflag:s0], s1  }
0x50: {  	s1 =	ssub.s32 @!p0 $0x0, s1;
	[sflag:s0] =	ssyncset.done @!p0 $0x0  }
0x51: {  	[sflag:s0] =	ssyncadd.s32 @!p0 s1  }
0x52: {  	[bflag:$0x3] =	sbarrier.arrive $0xFFFF  }
0x53: {  	_ =	shalt  }

</sc_bundles>
